<compile_context>
chip_gen: v7x
topology: tpu7x:2x2x1
jax: 0.10.2.dev20260603
libtpu: 0.0.44.dev20260713+nightly
codegen_flags: <defaults>
</compile_context>

<pallas_src>
import functools

import jax
import jax.numpy as jnp
from jax import lax
from jax.experimental import pallas as pl
from jax.experimental.pallas import tpu as pltpu
from jax.experimental.pallas import tpu_sc as plsc

N = 10000
E = 160000
IN_F = 128
HEADS = 8
OUT_F = 16

NS = 16
CHUNK = 128
E_ROWS = E // CHUNK
BASE_ROWS = E_ROWS // NS
EXTRA_TILES = E_ROWS - BASE_ROWS * NS
MAX_ROWS = BASE_ROWS + 1
N_PAD = 10112
ROWS_PER_TILE = N_PAD // NS
LAST_ROWS = N - (NS - 1) * ROWS_PER_TILE
Y_ROWS_PER_TILE = 78
Y_LAST_ROWS = N // 8 - (NS - 1) * Y_ROWS_PER_TILE

MM_BLOCK = 2000
NBUF = 8


def _mm_body(x_ref, w_ref, y_ref):
    w = w_ref[...]
    w2 = w[:, 0:OUT_F]
    for h in range(1, HEADS):
        w2 = w2 + w[:, h * OUT_F:(h + 1) * OUT_F]
    y = jnp.dot(x_ref[0], w2, preferred_element_type=jnp.float32)
    y_ref[...] = jnp.concatenate(
        [y * (1.0 / HEADS), jnp.zeros((MM_BLOCK, IN_F - OUT_F), jnp.float32)],
        axis=1)


def _matmul(x, W):
    return pl.pallas_call(
        _mm_body,
        grid=(N // MM_BLOCK,),
        in_specs=[
            pl.BlockSpec((1, MM_BLOCK, IN_F), lambda i: (0, i, 0)),
            pl.BlockSpec((IN_F, IN_F), lambda i: (0, 0)),
        ],
        out_specs=pl.BlockSpec((MM_BLOCK, IN_F), lambda i: (i, 0)),
        out_shape=jax.ShapeDtypeStruct((N, IN_F), jnp.float32),
    )(x, W)


def _sc_body(y_hbm, src_hbm, dst_hbm, out_hbm,
             src_v, dst_v, row_buf, acc, y_sh, sem):
    s = lax.axis_index("s")
    nfirst = NS - EXTRA_TILES
    tn = BASE_ROWS + jnp.where(s < nfirst, 0, 1)
    row0 = s * BASE_ROWS + jnp.maximum(s - nfirst, 0)
    stripe = pl.ds(s * ROWS_PER_TILE, ROWS_PER_TILE)
    def zero_row(i, carry):
        row_buf[0, i] = jnp.zeros((OUT_F,), jnp.float32)
        return carry

    lax.fori_loop(0, CHUNK, zero_row, 0)
    for q in range(4):
        pltpu.sync_copy(
            row_buf.at[0],
            acc.at[pl.ds(s * ROWS_PER_TILE + q * CHUNK, CHUNK)])
    pltpu.sync_copy(
        row_buf.at[0, pl.ds(0, ROWS_PER_TILE - 4 * CHUNK)],
        acc.at[pl.ds(s * ROWS_PER_TILE + 4 * CHUNK, ROWS_PER_TILE - 4 * CHUNK)])

    @pl.when(s < NS - 1)
    def _():
        pltpu.sync_copy(y_hbm.at[stripe, pl.ds(0, OUT_F)], y_sh.at[stripe])

    @pl.when(s == NS - 1)
    def _():
        last = pl.ds((NS - 1) * ROWS_PER_TILE, LAST_ROWS)
        pltpu.sync_copy(y_hbm.at[last, pl.ds(0, OUT_F)], y_sh.at[last])

    @pl.when(s < nfirst)
    def _():
        pltpu.sync_copy(src_hbm.at[pl.ds(row0, BASE_ROWS)],
                        src_v.at[pl.ds(0, BASE_ROWS)])
        pltpu.sync_copy(dst_hbm.at[pl.ds(row0, BASE_ROWS)],
                        dst_v.at[pl.ds(0, BASE_ROWS)])

    @pl.when(s >= nfirst)
    def _():
        pltpu.sync_copy(src_hbm.at[pl.ds(row0, MAX_ROWS)], src_v)
        pltpu.sync_copy(dst_hbm.at[pl.ds(row0, MAX_ROWS)], dst_v)

    plsc.subcore_barrier()

    for b in range(NBUF):
        @pl.when(b < tn)
        def _():
            pltpu.async_copy(y_sh.at[dst_v.at[b]], row_buf.at[b], sem.at[b])

    def outer(j0, carry):
        for b in range(NBUF):
            j = j0 * NBUF + b

            @pl.when(j < tn)
            def _():
                pltpu.make_async_copy(
                    y_sh.at[dst_v.at[j]], row_buf.at[b], sem.at[b]).wait()
                pltpu.sync_copy(row_buf.at[b], acc.at[src_v.at[j]], add=True)
                jn = j + NBUF

                @pl.when(jn < tn)
                def _():
                    pltpu.async_copy(
                        y_sh.at[dst_v.at[jn]], row_buf.at[b], sem.at[b])
        return carry

    lax.fori_loop(0, (MAX_ROWS + NBUF - 1) // NBUF, outer, 0)
    plsc.subcore_barrier()

    @pl.when(s < NS - 1)
    def _():
        pltpu.sync_copy(acc.at[stripe], out_hbm.at[0, stripe, pl.ds(0, OUT_F)])

    @pl.when(s == NS - 1)
    def _():
        last = pl.ds((NS - 1) * ROWS_PER_TILE, LAST_ROWS)
        pltpu.sync_copy(acc.at[last], out_hbm.at[0, last, pl.ds(0, OUT_F)])


def _scatter(y, src_p, dst_p):
    mesh = plsc.VectorSubcoreMesh(
        core_axis_name="c", subcore_axis_name="s", num_cores=1)
    f = pl.kernel(
        _sc_body,
        out_type=jax.ShapeDtypeStruct((1, N, IN_F), jnp.float32),
        mesh=mesh,
        scratch_types=[
            pltpu.VMEM((MAX_ROWS, CHUNK), jnp.int32),
            pltpu.VMEM((MAX_ROWS, CHUNK), jnp.int32),
            pltpu.VMEM((NBUF, CHUNK, OUT_F), jnp.float32),
            pltpu.VMEM_SHARED((N_PAD, OUT_F), jnp.float32),
            pltpu.VMEM_SHARED((N, OUT_F), jnp.float32),
            pltpu.SemaphoreType.DMA((NBUF,)),
        ],
        compiler_params=pltpu.CompilerParams(use_tc_tiling_on_sc=False),
    )
    return f(y, src_p, dst_p)


def kernel(x, edge_indices, W, a):
    del a
    y = _matmul(x, W)

    src_p = edge_indices[0].reshape(E_ROWS, CHUNK)
    dst_p = edge_indices[1].reshape(E_ROWS, CHUNK)
    out_wide = _scatter(y, src_p, dst_p)
    return out_wide[:, :, :OUT_F]

# --- scband reference (transcript-rebuilt; emitter-appended) ---
"""Pipeline reference for scband-schema-disambiguator-34351148433904 (READ-ONLY COPY).

The authoritative reference and input builder live on the scoring server;
editing this copy changes nothing except your own understanding.
"""

import jax, jax.numpy as jnp
import numpy as np

N_NODES = 10000
N_EDGES = 160000
IN_F = 128
HEADS = 8
OUT_F = 16  # in_features // num_heads, matching SchemaDisambiguator's GAT construction


def setup_inputs(seed: int = 0) -> dict:
    key = jax.random.key(seed)
    k1, k2, k3, k4 = jax.random.split(key, 4)
    x = jax.random.normal(k1, (1, N_NODES, IN_F), dtype=jnp.float32)
    edge_indices = jax.random.randint(k2, (2, N_EDGES), 0, N_NODES, dtype=jnp.int32)
    # nn.Linear(in_features, out_features*num_heads, bias=False) -> store as [in, out*heads]
    W = jax.random.normal(k3, (IN_F, OUT_F * HEADS), dtype=jnp.float32) * (1.0 / np.sqrt(IN_F))
    # attention vector a: [2*out_features, 1]
    a = jax.random.normal(k4, (2 * OUT_F, 1), dtype=jnp.float32) * 0.1
    return {"x": x, "edge_indices": edge_indices, "W": W, "a": a}


def reference(x, edge_indices, W, a):
    # Faithful (vectorized) translation of GraphAttentionLayer.forward in eval mode
    # (dropout is identity in eval).
    B, N, _ = x.shape
    h = (x @ W).reshape(B, N, HEADS, OUT_F)          # [B, N, H, F]
    edge_src = edge_indices[0]
    edge_dst = edge_indices[1]
    h_src = h[:, edge_src]                            # gather: [B, E, H, F]
    h_dst = h[:, edge_dst]                            # gather: [B, E, H, F]
    edge_features = jnp.concatenate([h_src, h_dst], axis=-1)  # [B, E, H, 2F]
    attention_scores = jnp.einsum('behf,fo->beho', edge_features, a).squeeze(-1)  # [B, E, H]
    attention_scores = jax.nn.leaky_relu(attention_scores, negative_slope=0.2)
    # Original loop: for each edge i, attention_weights[:, src_i] = softmax(scores[:, i], dim=0)
    # i.e. softmax over the BATCH axis; later edges overwrite earlier ones at the same src.
    sm = jax.nn.softmax(attention_scores, axis=0)     # [B, E, H]
    attention_weights = jnp.zeros((B, N, HEADS), dtype=x.dtype).at[:, edge_src].set(sm)
    # Second loop: aggregated[:, src_i] += attention_weights[:, src_i, None] * h_dst[:, i]
    w_src = attention_weights[:, edge_src]            # gather back: [B, E, H]
    contrib = w_src[..., None] * h_dst                # [B, E, H, F]
    aggregated = jnp.zeros((B, N, HEADS, OUT_F), dtype=x.dtype).at[:, edge_src].add(contrib)
    output = aggregated.mean(axis=2)                  # [B, N, F]
    return output

if __name__ == "__main__":
    import jax
    _d = setup_inputs()
    print(jax.jit(kernel)(*tuple(_d.values())))

</pallas_src>

<mosaic_0001>
#map = affine_map<(d0, d1) -> (0, 0)>
#map1 = affine_map<(d0, d1) -> (0, 0, 0)>
module attributes {stable_mosaic.version = 14 : i64} {
  func.func @_sc_body(%arg0: i32, %arg1: i32, %arg2: memref<10000x128xf32, #tpu.memory_space<hbm>>, %arg3: memref<1250x128xi32, #tpu.memory_space<hbm>>, %arg4: memref<1250x128xi32, #tpu.memory_space<hbm>>, %arg5: memref<1x10000x128xf32, #tpu.memory_space<hbm>>, %arg6: memref<79x128xi32, #tpu.memory_space<vmem>>, %arg7: memref<79x128xi32, #tpu.memory_space<vmem>>, %arg8: memref<8x128x16xf32, #tpu.memory_space<vmem>>, %arg9: memref<10112x16xf32, #tpu.memory_space<vmem_shared>>, %arg10: memref<10000x16xf32, #tpu.memory_space<vmem_shared>>, %arg11: memref<8x!tpu.dma_semaphore, #tpu.memory_space<semaphore_mem>>) attributes {dimension_semantics = [#tpu.dimension_semantics<core_parallel>, #tpu.dimension_semantics<subcore_parallel>], iteration_bounds = array<i64: 1, 16>, scalar_prefetch = 0 : i64, scratch_operands = 6 : i64, tpu.core_type = #tpu.core_type<sc_vector_subcore>, window_params = [{transform_indices = #map}, {transform_indices = #map}, {transform_indices = #map}, {transform_indices = #map1}]} {
    %lt3A = arith.constant 14 : i32
    %lt3A_0 = arith.cmpi slt, %arg1, %lt3A : i32
    %jit3A = arith.constant 0 : i32
    %jit3A_1 = arith.constant 1 : i32
    %select_n3A = arith.select %lt3A_0, %jit3A, %jit3A_1 : i32
    %add3A = arith.constant 78 : i32
    %add3A_2 = arith.addi %add3A, %select_n3A : i32
    %mul3A = arith.constant 78 : i32
    %mul3A_3 = arith.muli %arg1, %mul3A : i32
    %sub3A = arith.constant 14 : i32
    %sub3A_4 = arith.subi %arg1, %sub3A : i32
    %max3A = arith.constant 0 : i32
    %max3A_5 = arith.maxsi %sub3A_4, %max3A : i32
    %add3A_6 = arith.addi %mul3A_3, %max3A_5 : i32
    %mul3A_7 = arith.constant 632 : i32
    %mul3A_8 = arith.muli %arg1, %mul3A_7 : i32
    %scan3A = arith.constant 0 : i32
    %scan3A_9 = arith.constant 0 : i32
    %scan3A_10 = arith.constant 128 : i32
    %scan3A_11 = arith.addi %scan3A_9, %scan3A_10 : i32
    %scan3A_12 = arith.constant 1 : i32
    scf.for %scan3A_110 = %scan3A_9 to %scan3A_11 step %scan3A_12  : i32 {
      %broadcast_in_dim3A = arith.constant 0.000000e+00 : f32
      %broadcast_in_dim3A_111 = vector.broadcast %broadcast_in_dim3A : f32 to vector<16xf32>
      %swap3A = arith.constant 0 : i32
      %swap3A_112 = arith.index_cast %swap3A : i32 to index
      %swap3A_113 = arith.index_cast %scan3A_110 : i32 to index
      %swap3A_114 = arith.constant 0 : index
      %swap3A_115 = tpu.vector_load %arg8[%swap3A_112, %swap3A_113, %swap3A_114] {strides = array<i32>} : memref<8x128x16xf32, #tpu.memory_space<vmem>>, vector<1x1x16xf32>,
      %swap3A_116 = vector.shape_cast %swap3A_115 : vector<1x1x16xf32> to vector<16xf32>
      %swap3A_117 = vector.shape_cast %broadcast_in_dim3A_111 : vector<16xf32> to vector<1x1x16xf32>
      tpu.vector_store %arg8[%swap3A_112, %swap3A_113, %swap3A_114], %swap3A_117 {strides = array<i32>} : memref<8x128x16xf32, #tpu.memory_space<vmem>>, vector<1x1x16xf32>,
    }
    %scan3A_13 = arith.constant 128 : i32
    %mul3A_14 = arith.constant 632 : i32
    %mul3A_15 = arith.muli %arg1, %mul3A_14 : i32
    %add3A_16 = arith.constant 0 : i32
    %add3A_17 = arith.addi %mul3A_15, %add3A_16 : i32
    %run_scoped3A = arith.constant 0 : i32
    "tpu.region"() ({
      %run_scoped3A_110 = tpu.sem_alloc : memref<!tpu.dma_semaphore, #tpu.memory_space<semaphore_mem>>
      %dma_start3A = arith.constant 0 : i32
      %dma_start3A_111 = arith.constant 0 : i32
      %dma_start3A_112 = tpu.memref_slice %arg8[%run_scoped3A, %dma_start3A, %dma_start3A_111] : memref<8x128x16xf32, #tpu.memory_space<vmem>> -> memref<1x128x16xf32, #tpu.memory_space<vmem>>
      %dma_start3A_113 = tpu.memref_squeeze %dma_start3A_112 : memref<1x128x16xf32, #tpu.memory_space<vmem>> -> memref<128x16xf32, #tpu.memory_space<vmem>>
      %dma_start3A_114 = arith.constant 0 : i32
      %dma_start3A_115 = tpu.memref_slice %arg9[%add3A_17, %dma_start3A_114] : memref<10112x16xf32, #tpu.memory_space<vmem_shared>> -> memref<128x16xf32, #tpu.memory_space<vmem_shared>>
      %dma_start3A_116 = arith.constant 0 : i32
      %dma_start3A_117 = tpu.memref_slice %arg9[%add3A_17, %dma_start3A_116] : memref<10112x16xf32, #tpu.memory_space<vmem_shared>> -> memref<128x16xf32, #tpu.memory_space<vmem_shared>>
      %dma_start3A_118 = arith.constant 0 : i32
      %dma_start3A_119 = arith.constant 0 : i32
      %dma_start3A_120 = tpu.memref_slice %arg8[%run_scoped3A, %dma_start3A_118, %dma_start3A_119] : memref<8x128x16xf32, #tpu.memory_space<vmem>> -> memref<1x128x16xf32, #tpu.memory_space<vmem>>
      %dma_start3A_121 = tpu.memref_squeeze %dma_start3A_120 : memref<1x128x16xf32, #tpu.memory_space<vmem>> -> memref<128x16xf32, #tpu.memory_space<vmem>>
      tpu.enqueue_dma source(%dma_start3A_121 : memref<128x16xf32, #tpu.memory_space<vmem>>) target(%dma_start3A_117 : memref<128x16xf32, #tpu.memory_space<vmem_shared>>) target_semaphore(%run_scoped3A_110 : memref<!tpu.dma_semaphore, #tpu.memory_space<semaphore_mem>>)
      %dma_wait3A = arith.constant 0 : i32
      %dma_wait3A_122 = arith.constant 0 : i32
      %dma_wait3A_123 = tpu.memref_slice %arg8[%run_scoped3A, %dma_wait3A, %dma_wait3A_122] : memref<8x128x16xf32, #tpu.memory_space<vmem>> -> memref<1x128x16xf32, #tpu.memory_space<vmem>>
      %dma_wait3A_124 = tpu.memref_squeeze %dma_wait3A_123 : memref<1x128x16xf32, #tpu.memory_space<vmem>> -> memref<128x16xf32, #tpu.memory_space<vmem>>
      %dma_wait3A_125 = arith.constant 0 : i32
      %dma_wait3A_126 = tpu.memref_slice %arg9[%add3A_17, %dma_wait3A_125] : memref<10112x16xf32, #tpu.memory_space<vmem_shared>> -> memref<128x16xf32, #tpu.memory_space<vmem_shared>>
      %dma_wait3A_127 = arith.constant 0 : i32
      %dma_wait3A_128 = tpu.memref_slice %arg9[%add3A_17, %dma_wait3A_127] : memref<10112x16xf32, #tpu.memory_space<vmem_shared>> -> memref<128x16xf32, #tpu.memory_space<vmem_shared>>
      %dma_wait3A_129 = arith.constant 0 : i32
      %dma_wait3A_130 = arith.constant 0 : i32
      %dma_wait3A_131 = tpu.memref_slice %arg8[%run_scoped3A, %dma_wait3A_129, %dma_wait3A_130] : memref<8x128x16xf32, #tpu.memory_space<vmem>> -> memref<1x128x16xf32, #tpu.memory_space<vmem>>
      %dma_wait3A_132 = tpu.memref_squeeze %dma_wait3A_131 : memref<1x128x16xf32, #tpu.memory_space<vmem>> -> memref<128x16xf32, #tpu.memory_space<vmem>>
      tpu.wait_dma2 semaphore(%run_scoped3A_110 : memref<!tpu.dma_semaphore, #tpu.memory_space<semaphore_mem>>) src(%dma_wait3A_132 : memref<128x16xf32, #tpu.memory_space<vmem>>) dst(%dma_wait3A_128 : memref<128x16xf32, #tpu.memory_space<vmem_shared>>)
      tpu.yield
    }) : () -> ()
    %mul3A_18 = arith.constant 632 : i32
    %mul3A_19 = arith.muli %arg1, %mul3A_18 : i32
    %add3A_20 = arith.constant 128 : i32
    %add3A_21 = arith.addi %mul3A_19, %add3A_20 : i32
    %run_scoped3A_22 = arith.constant 0 : i32
    "tpu.region"() ({
      %run_scoped3A_110 = tpu.sem_alloc : memref<!tpu.dma_semaphore, #tpu.memory_space<semaphore_mem>>
      %dma_start3A = arith.constant 0 : i32
      %dma_start3A_111 = arith.constant 0 : i32
      %dma_start3A_112 = tpu.memref_slice %arg8[%run_scoped3A_22, %dma_start3A, %dma_start3A_111] : memref<8x128x16xf32, #tpu.memory_space<vmem>> -> memref<1x128x16xf32, #tpu.memory_space<vmem>>
      %dma_start3A_113 = tpu.memref_squeeze %dma_start3A_112 : memref<1x128x16xf32, #tpu.memory_space<vmem>> -> memref<128x16xf32, #tpu.memory_space<vmem>>
      %dma_start3A_114 = arith.constant 0 : i32
      %dma_start3A_115 = tpu.memref_slice %arg9[%add3A_21, %dma_start3A_114] : memref<10112x16xf32, #tpu.memory_space<vmem_shared>> -> memref<128x16xf32, #tpu.memory_space<vmem_shared>>
      %dma_start3A_116 = arith.constant 0 : i32
      %dma_start3A_117 = tpu.memref_slice %arg9[%add3A_21, %dma_start3A_116] : memref<10112x16xf32, #tpu.memory_space<vmem_shared>> -> memref<128x16xf32, #tpu.memory_space<vmem_shared>>
      %dma_start3A_118 = arith.constant 0 : i32
      %dma_start3A_119 = arith.constant 0 : i32
      %dma_start3A_120 = tpu.memref_slice %arg8[%run_scoped3A_22, %dma_start3A_118, %dma_start3A_119] : memref<8x128x16xf32, #tpu.memory_space<vmem>> -> memref<1x128x16xf32, #tpu.memory_space<vmem>>
      %dma_start3A_121 = tpu.memref_squeeze %dma_start3A_120 : memref<1x128x16xf32, #tpu.memory_space<vmem>> -> memref<128x16xf32, #tpu.memory_space<vmem>>
      tpu.enqueue_dma source(%dma_start3A_121 : memref<128x16xf32, #tpu.memory_space<vmem>>) target(%dma_start3A_117 : memref<128x16xf32, #tpu.memory_space<vmem_shared>>) target_semaphore(%run_scoped3A_110 : memref<!tpu.dma_semaphore, #tpu.memory_space<semaphore_mem>>)
      %dma_wait3A = arith.constant 0 : i32
      %dma_wait3A_122 = arith.constant 0 : i32
      %dma_wait3A_123 = tpu.memref_slice %arg8[%run_scoped3A_22, %dma_wait3A, %dma_wait3A_122] : memref<8x128x16xf32, #tpu.memory_space<vmem>> -> memref<1x128x16xf32, #tpu.memory_space<vmem>>
      %dma_wait3A_124 = tpu.memref_squeeze %dma_wait3A_123 : memref<1x128x16xf32, #tpu.memory_space<vmem>> -> memref<128x16xf32, #tpu.memory_space<vmem>>
      %dma_wait3A_125 = arith.constant 0 : i32
      %dma_wait3A_126 = tpu.memref_slice %arg9[%add3A_21, %dma_wait3A_125] : memref<10112x16xf32, #tpu.memory_space<vmem_shared>> -> memref<128x16xf32, #tpu.memory_space<vmem_shared>>
      %dma_wait3A_127 = arith.constant 0 : i32
      %dma_wait3A_128 = tpu.memref_slice %arg9[%add3A_21, %dma_wait3A_127] : memref<10112x16xf32, #tpu.memory_space<vmem_shared>> -> memref<128x16xf32, #tpu.memory_space<vmem_shared>>
      %dma_wait3A_129 = arith.constant 0 : i32
      %dma_wait3A_130 = arith.constant 0 : i32
      %dma_wait3A_131 = tpu.memref_slice %arg8[%run_scoped3A_22, %dma_wait3A_129, %dma_wait3A_130] : memref<8x128x16xf32, #tpu.memory_space<vmem>> -> memref<1x128x16xf32, #tpu.memory_space<vmem>>
      %dma_wait3A_132 = tpu.memref_squeeze %dma_wait3A_131 : memref<1x128x16xf32, #tpu.memory_space<vmem>> -> memref<128x16xf32, #tpu.memory_space<vmem>>
      tpu.wait_dma2 semaphore(%run_scoped3A_110 : memref<!tpu.dma_semaphore, #tpu.memory_space<semaphore_mem>>) src(%dma_wait3A_132 : memref<128x16xf32, #tpu.memory_space<vmem>>) dst(%dma_wait3A_128 : memref<128x16xf32, #tpu.memory_space<vmem_shared>>)
      tpu.yield
    }) : () -> ()
    %mul3A_23 = arith.constant 632 : i32
    %mul3A_24 = arith.muli %arg1, %mul3A_23 : i32
    %add3A_25 = arith.constant 256 : i32
    %add3A_26 = arith.addi %mul3A_24, %add3A_25 : i32
    %run_scoped3A_27 = arith.constant 0 : i32
    "tpu.region"() ({
      %run_scoped3A_110 = tpu.sem_alloc : memref<!tpu.dma_semaphore, #tpu.memory_space<semaphore_mem>>
      %dma_start3A = arith.constant 0 : i32
      %dma_start3A_111 = arith.constant 0 : i32
      %dma_start3A_112 = tpu.memref_slice %arg8[%run_scoped3A_27, %dma_start3A, %dma_start3A_111] : memref<8x128x16xf32, #tpu.memory_space<vmem>> -> memref<1x128x16xf32, #tpu.memory_space<vmem>>
      %dma_start3A_113 = tpu.memref_squeeze %dma_start3A_112 : memref<1x128x16xf32, #tpu.memory_space<vmem>> -> memref<128x16xf32, #tpu.memory_space<vmem>>
      %dma_start3A_114 = arith.constant 0 : i32
      %dma_start3A_115 = tpu.memref_slice %arg9[%add3A_26, %dma_start3A_114] : memref<10112x16xf32, #tpu.memory_space<vmem_shared>> -> memref<128x16xf32, #tpu.memory_space<vmem_shared>>
      %dma_start3A_116 = arith.constant 0 : i32
      %dma_start3A_117 = tpu.memref_slice %arg9[%add3A_26, %dma_start3A_116] : memref<10112x16xf32, #tpu.memory_space<vmem_shared>> -> memref<128x16xf32, #tpu.memory_space<vmem_shared>>
      %dma_start3A_118 = arith.constant 0 : i32
      %dma_start3A_119 = arith.constant 0 : i32
      %dma_start3A_120 = tpu.memref_slice %arg8[%run_scoped3A_27, %dma_start3A_118, %dma_start3A_119] : memref<8x128x16xf32, #tpu.memory_space<vmem>> -> memref<1x128x16xf32, #tpu.memory_space<vmem>>
      %dma_start3A_121 = tpu.memref_squeeze %dma_start3A_120 : memref<1x128x16xf32, #tpu.memory_space<vmem>> -> memref<128x16xf32, #tpu.memory_space<vmem>>
      tpu.enqueue_dma source(%dma_start3A_121 : memref<128x16xf32, #tpu.memory_space<vmem>>) target(%dma_start3A_117 : memref<128x16xf32, #tpu.memory_space<vmem_shared>>) target_semaphore(%run_scoped3A_110 : memref<!tpu.dma_semaphore, #tpu.memory_space<semaphore_mem>>)
      %dma_wait3A = arith.constant 0 : i32
      %dma_wait3A_122 = arith.constant 0 : i32
      %dma_wait3A_123 = tpu.memref_slice %arg8[%run_scoped3A_27, %dma_wait3A, %dma_wait3A_122] : memref<8x128x16xf32, #tpu.memory_space<vmem>> -> memref<1x128x16xf32, #tpu.memory_space<vmem>>
      %dma_wait3A_124 = tpu.memref_squeeze %dma_wait3A_123 : memref<1x128x16xf32, #tpu.memory_space<vmem>> -> memref<128x16xf32, #tpu.memory_space<vmem>>
      %dma_wait3A_125 = arith.constant 0 : i32
      %dma_wait3A_126 = tpu.memref_slice %arg9[%add3A_26, %dma_wait3A_125] : memref<10112x16xf32, #tpu.memory_space<vmem_shared>> -> memref<128x16xf32, #tpu.memory_space<vmem_shared>>
      %dma_wait3A_127 = arith.constant 0 : i32
      %dma_wait3A_128 = tpu.memref_slice %arg9[%add3A_26, %dma_wait3A_127] : memref<10112x16xf32, #tpu.memory_space<vmem_shared>> -> memref<128x16xf32, #tpu.memory_space<vmem_shared>>
      %dma_wait3A_129 = arith.constant 0 : i32
      %dma_wait3A_130 = arith.constant 0 : i32
      %dma_wait3A_131 = tpu.memref_slice %arg8[%run_scoped3A_27, %dma_wait3A_129, %dma_wait3A_130] : memref<8x128x16xf32, #tpu.memory_space<vmem>> -> memref<1x128x16xf32, #tpu.memory_space<vmem>>
      %dma_wait3A_132 = tpu.memref_squeeze %dma_wait3A_131 : memref<1x128x16xf32, #tpu.memory_space<vmem>> -> memref<128x16xf32, #tpu.memory_space<vmem>>
      tpu.wait_dma2 semaphore(%run_scoped3A_110 : memref<!tpu.dma_semaphore, #tpu.memory_space<semaphore_mem>>) src(%dma_wait3A_132 : memref<128x16xf32, #tpu.memory_space<vmem>>) dst(%dma_wait3A_128 : memref<128x16xf32, #tpu.memory_space<vmem_shared>>)
      tpu.yield
    }) : () -> ()
    %mul3A_28 = arith.constant 632 : i32
    %mul3A_29 = arith.muli %arg1, %mul3A_28 : i32
    %add3A_30 = arith.constant 384 : i32
    %add3A_31 = arith.addi %mul3A_29, %add3A_30 : i32
    %run_scoped3A_32 = arith.constant 0 : i32
    "tpu.region"() ({
      %run_scoped3A_110 = tpu.sem_alloc : memref<!tpu.dma_semaphore, #tpu.memory_space<semaphore_mem>>
      %dma_start3A = arith.constant 0 : i32
      %dma_start3A_111 = arith.constant 0 : i32
      %dma_start3A_112 = tpu.memref_slice %arg8[%run_scoped3A_32, %dma_start3A, %dma_start3A_111] : memref<8x128x16xf32, #tpu.memory_space<vmem>> -> memref<1x128x16xf32, #tpu.memory_space<vmem>>
      %dma_start3A_113 = tpu.memref_squeeze %dma_start3A_112 : memref<1x128x16xf32, #tpu.memory_space<vmem>> -> memref<128x16xf32, #tpu.memory_space<vmem>>
      %dma_start3A_114 = arith.constant 0 : i32
      %dma_start3A_115 = tpu.memref_slice %arg9[%add3A_31, %dma_start3A_114] : memref<10112x16xf32, #tpu.memory_space<vmem_shared>> -> memref<128x16xf32, #tpu.memory_space<vmem_shared>>
      %dma_start3A_116 = arith.constant 0 : i32
      %dma_start3A_117 = tpu.memref_slice %arg9[%add3A_31, %dma_start3A_116] : memref<10112x16xf32, #tpu.memory_space<vmem_shared>> -> memref<128x16xf32, #tpu.memory_space<vmem_shared>>
      %dma_start3A_118 = arith.constant 0 : i32
      %dma_start3A_119 = arith.constant 0 : i32
      %dma_start3A_120 = tpu.memref_slice %arg8[%run_scoped3A_32, %dma_start3A_118, %dma_start3A_119] : memref<8x128x16xf32, #tpu.memory_space<vmem>> -> memref<1x128x16xf32, #tpu.memory_space<vmem>>
      %dma_start3A_121 = tpu.memref_squeeze %dma_start3A_120 : memref<1x128x16xf32, #tpu.memory_space<vmem>> -> memref<128x16xf32, #tpu.memory_space<vmem>>
      tpu.enqueue_dma source(%dma_start3A_121 : memref<128x16xf32, #tpu.memory_space<vmem>>) target(%dma_start3A_117 : memref<128x16xf32, #tpu.memory_space<vmem_shared>>) target_semaphore(%run_scoped3A_110 : memref<!tpu.dma_semaphore, #tpu.memory_space<semaphore_mem>>)
      %dma_wait3A = arith.constant 0 : i32
      %dma_wait3A_122 = arith.constant 0 : i32
      %dma_wait3A_123 = tpu.memref_slice %arg8[%run_scoped3A_32, %dma_wait3A, %dma_wait3A_122] : memref<8x128x16xf32, #tpu.memory_space<vmem>> -> memref<1x128x16xf32, #tpu.memory_space<vmem>>
      %dma_wait3A_124 = tpu.memref_squeeze %dma_wait3A_123 : memref<1x128x16xf32, #tpu.memory_space<vmem>> -> memref<128x16xf32, #tpu.memory_space<vmem>>
      %dma_wait3A_125 = arith.constant 0 : i32
      %dma_wait3A_126 = tpu.memref_slice %arg9[%add3A_31, %dma_wait3A_125] : memref<10112x16xf32, #tpu.memory_space<vmem_shared>> -> memref<128x16xf32, #tpu.memory_space<vmem_shared>>
      %dma_wait3A_127 = arith.constant 0 : i32
      %dma_wait3A_128 = tpu.memref_slice %arg9[%add3A_31, %dma_wait3A_127] : memref<10112x16xf32, #tpu.memory_space<vmem_shared>> -> memref<128x16xf32, #tpu.memory_space<vmem_shared>>
      %dma_wait3A_129 = arith.constant 0 : i32
      %dma_wait3A_130 = arith.constant 0 : i32
      %dma_wait3A_131 = tpu.memref_slice %arg8[%run_scoped3A_32, %dma_wait3A_129, %dma_wait3A_130] : memref<8x128x16xf32, #tpu.memory_space<vmem>> -> memref<1x128x16xf32, #tpu.memory_space<vmem>>
      %dma_wait3A_132 = tpu.memref_squeeze %dma_wait3A_131 : memref<1x128x16xf32, #tpu.memory_space<vmem>> -> memref<128x16xf32, #tpu.memory_space<vmem>>
      tpu.wait_dma2 semaphore(%run_scoped3A_110 : memref<!tpu.dma_semaphore, #tpu.memory_space<semaphore_mem>>) src(%dma_wait3A_132 : memref<128x16xf32, #tpu.memory_space<vmem>>) dst(%dma_wait3A_128 : memref<128x16xf32, #tpu.memory_space<vmem_shared>>)
      tpu.yield
    }) : () -> ()
    %mul3A_33 = arith.constant 632 : i32
    %mul3A_34 = arith.muli %arg1, %mul3A_33 : i32
    %add3A_35 = arith.constant 512 : i32
    %add3A_36 = arith.addi %mul3A_34, %add3A_35 : i32
    %run_scoped3A_37 = arith.constant 0 : i32
    "tpu.region"() ({
      %run_scoped3A_110 = tpu.sem_alloc : memref<!tpu.dma_semaphore, #tpu.memory_space<semaphore_mem>>
      %dma_start3A = arith.constant 0 : i32
      %dma_start3A_111 = arith.constant 0 : i32
      %dma_start3A_112 = tpu.memref_slice %arg8[%run_scoped3A_37, %dma_start3A, %dma_start3A_111] : memref<8x128x16xf32, #tpu.memory_space<vmem>> -> memref<1x120x16xf32, #tpu.memory_space<vmem>>
      %dma_start3A_113 = tpu.memref_squeeze %dma_start3A_112 : memref<1x120x16xf32, #tpu.memory_space<vmem>> -> memref<120x16xf32, #tpu.memory_space<vmem>>
      %dma_start3A_114 = arith.constant 0 : i32
      %dma_start3A_115 = tpu.memref_slice %arg9[%add3A_36, %dma_start3A_114] : memref<10112x16xf32, #tpu.memory_space<vmem_shared>> -> memref<120x16xf32, #tpu.memory_space<vmem_shared>>
      %dma_start3A_116 = arith.constant 0 : i32
      %dma_start3A_117 = tpu.memref_slice %arg9[%add3A_36, %dma_start3A_116] : memref<10112x16xf32, #tpu.memory_space<vmem_shared>> -> memref<120x16xf32, #tpu.memory_space<vmem_shared>>
      %dma_start3A_118 = arith.constant 0 : i32
      %dma_start3A_119 = arith.constant 0 : i32
      %dma_start3A_120 = tpu.memref_slice %arg8[%run_scoped3A_37, %dma_start3A_118, %dma_start3A_119] : memref<8x128x16xf32, #tpu.memory_space<vmem>> -> memref<1x120x16xf32, #tpu.memory_space<vmem>>
      %dma_start3A_121 = tpu.memref_squeeze %dma_start3A_120 : memref<1x120x16xf32, #tpu.memory_space<vmem>> -> memref<120x16xf32, #tpu.memory_space<vmem>>
      tpu.enqueue_dma source(%dma_start3A_121 : memref<120x16xf32, #tpu.memory_space<vmem>>) target(%dma_start3A_117 : memref<120x16xf32, #tpu.memory_space<vmem_shared>>) target_semaphore(%run_scoped3A_110 : memref<!tpu.dma_semaphore, #tpu.memory_space<semaphore_mem>>)
      %dma_wait3A = arith.constant 0 : i32
      %dma_wait3A_122 = arith.constant 0 : i32
      %dma_wait3A_123 = tpu.memref_slice %arg8[%run_scoped3A_37, %dma_wait3A, %dma_wait3A_122] : memref<8x128x16xf32, #tpu.memory_space<vmem>> -> memref<1x120x16xf32, #tpu.memory_space<vmem>>
      %dma_wait3A_124 = tpu.memref_squeeze %dma_wait3A_123 : memref<1x120x16xf32, #tpu.memory_space<vmem>> -> memref<120x16xf32, #tpu.memory_space<vmem>>
      %dma_wait3A_125 = arith.constant 0 : i32
      %dma_wait3A_126 = tpu.memref_slice %arg9[%add3A_36, %dma_wait3A_125] : memref<10112x16xf32, #tpu.memory_space<vmem_shared>> -> memref<120x16xf32, #tpu.memory_space<vmem_shared>>
      %dma_wait3A_127 = arith.constant 0 : i32
      %dma_wait3A_128 = tpu.memref_slice %arg9[%add3A_36, %dma_wait3A_127] : memref<10112x16xf32, #tpu.memory_space<vmem_shared>> -> memref<120x16xf32, #tpu.memory_space<vmem_shared>>
      %dma_wait3A_129 = arith.constant 0 : i32
      %dma_wait3A_130 = arith.constant 0 : i32
      %dma_wait3A_131 = tpu.memref_slice %arg8[%run_scoped3A_37, %dma_wait3A_129, %dma_wait3A_130] : memref<8x128x16xf32, #tpu.memory_space<vmem>> -> memref<1x120x16xf32, #tpu.memory_space<vmem>>
      %dma_wait3A_132 = tpu.memref_squeeze %dma_wait3A_131 : memref<1x120x16xf32, #tpu.memory_space<vmem>> -> memref<120x16xf32, #tpu.memory_space<vmem>>
      tpu.wait_dma2 semaphore(%run_scoped3A_110 : memref<!tpu.dma_semaphore, #tpu.memory_space<semaphore_mem>>) src(%dma_wait3A_132 : memref<120x16xf32, #tpu.memory_space<vmem>>) dst(%dma_wait3A_128 : memref<120x16xf32, #tpu.memory_space<vmem_shared>>)
      tpu.yield
    }) : () -> ()
    %lt3A_38 = arith.constant 15 : i32
    %lt3A_39 = arith.cmpi slt, %arg1, %lt3A_38 : i32
    %convert_element_type3A = arith.extui %lt3A_39 : i1 to i32
    %cond3A = arith.constant 0 : i32
    %cond3A_40 = arith.cmpi ne, %convert_element_type3A, %cond3A : i32
    scf.if %cond3A_40 {
      "tpu.region"() ({
        %run_scoped3A_110 = tpu.sem_alloc : memref<!tpu.dma_semaphore, #tpu.memory_space<semaphore_mem>>
        %dma_start3A = arith.constant 0 : i32
        %dma_start3A_111 = tpu.memref_slice %arg10[%mul3A_8, %dma_start3A] : memref<10000x16xf32, #tpu.memory_space<vmem_shared>> -> memref<632x16xf32, #tpu.memory_space<vmem_shared>>
        %dma_start3A_112 = arith.constant 0 : i32
        %dma_start3A_113 = tpu.memref_slice %arg2[%mul3A_8, %dma_start3A_112] : memref<10000x128xf32, #tpu.memory_space<hbm>> -> memref<632x16xf32, #tpu.memory_space<hbm>>
        tpu.enqueue_dma source(%dma_start3A_113 : memref<632x16xf32, #tpu.memory_space<hbm>>) target(%dma_start3A_111 : memref<632x16xf32, #tpu.memory_space<vmem_shared>>) target_semaphore(%run_scoped3A_110 : memref<!tpu.dma_semaphore, #tpu.memory_space<semaphore_mem>>)
        %dma_wait3A = arith.constant 0 : i32
        %dma_wait3A_114 = tpu.memref_slice %arg10[%mul3A_8, %dma_wait3A] : memref<10000x16xf32, #tpu.memory_space<vmem_shared>> -> memref<632x16xf32, #tpu.memory_space<vmem_shared>>
        %dma_wait3A_115 = arith.constant 0 : i32
        %dma_wait3A_116 = tpu.memref_slice %arg2[%mul3A_8, %dma_wait3A_115] : memref<10000x128xf32, #tpu.memory_space<hbm>> -> memref<632x16xf32, #tpu.memory_space<hbm>>
        tpu.wait_dma2 semaphore(%run_scoped3A_110 : memref<!tpu.dma_semaphore, #tpu.memory_space<semaphore_mem>>) src(%dma_wait3A_116 : memref<632x16xf32, #tpu.memory_space<hbm>>) dst(%dma_wait3A_114 : memref<632x16xf32, #tpu.memory_space<vmem_shared>>)
        tpu.yield
      }) : () -> ()
    } else {
    }
    %eq3A = arith.constant 15 : i32
    %eq3A_41 = arith.cmpi eq, %arg1, %eq3A : i32
    %convert_element_type3A_42 = arith.extui %eq3A_41 : i1 to i32
    %cond3A_43 = arith.constant 0 : i32
    %cond3A_44 = arith.cmpi ne, %convert_element_type3A_42, %cond3A_43 : i32
    scf.if %cond3A_44 {
      "tpu.region"() ({
        %run_scoped3A_110 = tpu.sem_alloc : memref<!tpu.dma_semaphore, #tpu.memory_space<semaphore_mem>>
        %dma_start3A = arith.constant 9480 : i32
        %dma_start3A_111 = arith.constant 0 : i32
        %dma_start3A_112 = tpu.memref_slice %arg10[%dma_start3A, %dma_start3A_111] : memref<10000x16xf32, #tpu.memory_space<vmem_shared>> -> memref<520x16xf32, #tpu.memory_space<vmem_shared>>
        %dma_start3A_113 = arith.constant 9480 : i32
        %dma_start3A_114 = arith.constant 0 : i32
        %dma_start3A_115 = tpu.memref_slice %arg2[%dma_start3A_113, %dma_start3A_114] : memref<10000x128xf32, #tpu.memory_space<hbm>> -> memref<520x16xf32, #tpu.memory_space<hbm>>
        tpu.enqueue_dma source(%dma_start3A_115 : memref<520x16xf32, #tpu.memory_space<hbm>>) target(%dma_start3A_112 : memref<520x16xf32, #tpu.memory_space<vmem_shared>>) target_semaphore(%run_scoped3A_110 : memref<!tpu.dma_semaphore, #tpu.memory_space<semaphore_mem>>)
        %dma_wait3A = arith.constant 9480 : i32
        %dma_wait3A_116 = arith.constant 0 : i32
        %dma_wait3A_117 = tpu.memref_slice %arg10[%dma_wait3A, %dma_wait3A_116] : memref<10000x16xf32, #tpu.memory_space<vmem_shared>> -> memref<520x16xf32, #tpu.memory_space<vmem_shared>>
        %dma_wait3A_118 = arith.constant 9480 : i32
        %dma_wait3A_119 = arith.constant 0 : i32
        %dma_wait3A_120 = tpu.memref_slice %arg2[%dma_wait3A_118, %dma_wait3A_119] : memref<10000x128xf32, #tpu.memory_space<hbm>> -> memref<520x16xf32, #tpu.memory_space<hbm>>
        tpu.wait_dma2 semaphore(%run_scoped3A_110 : memref<!tpu.dma_semaphore, #tpu.memory_space<semaphore_mem>>) src(%dma_wait3A_120 : memref<520x16xf32, #tpu.memory_space<hbm>>) dst(%dma_wait3A_117 : memref<520x16xf32, #tpu.memory_space<vmem_shared>>)
        tpu.yield
      }) : () -> ()
    } else {
    }
    %lt3A_45 = arith.constant 14 : i32
    %lt3A_46 = arith.cmpi slt, %arg1, %lt3A_45 : i32
    %convert_element_type3A_47 = arith.extui %lt3A_46 : i1 to i32
    %cond3A_48 = arith.constant 0 : i32
    %cond3A_49 = arith.cmpi ne, %convert_element_type3A_47, %cond3A_48 : i32
    scf.if %cond3A_49 {
      "tpu.region"() ({
        %run_scoped3A_110 = tpu.sem_alloc : memref<!tpu.dma_semaphore, #tpu.memory_space<semaphore_mem>>
        %dma_start3A = arith.constant 0 : i32
        %dma_start3A_111 = arith.constant 0 : i32
        %dma_start3A_112 = tpu.memref_slice %arg6[%dma_start3A, %dma_start3A_111] : memref<79x128xi32, #tpu.memory_space<vmem>> -> memref<78x128xi32, #tpu.memory_space<vmem>>
        %dma_start3A_113 = arith.constant 0 : i32
        %dma_start3A_114 = tpu.memref_slice %arg3[%add3A_6, %dma_start3A_113] : memref<1250x128xi32, #tpu.memory_space<hbm>> -> memref<78x128xi32, #tpu.memory_space<hbm>>
        %dma_start3A_115 = arith.constant 0 : i32
        %dma_start3A_116 = arith.constant 0 : i32
        %dma_start3A_117 = tpu.memref_slice %arg6[%dma_start3A_115, %dma_start3A_116] : memref<79x128xi32, #tpu.memory_space<vmem>> -> memref<78x128xi32, #tpu.memory_space<vmem>>
        %dma_start3A_118 = arith.constant 0 : i32
        %dma_start3A_119 = tpu.memref_slice %arg3[%add3A_6, %dma_start3A_118] : memref<1250x128xi32, #tpu.memory_space<hbm>> -> memref<78x128xi32, #tpu.memory_space<hbm>>
        tpu.enqueue_dma source(%dma_start3A_119 : memref<78x128xi32, #tpu.memory_space<hbm>>) target(%dma_start3A_117 : memref<78x128xi32, #tpu.memory_space<vmem>>) target_semaphore(%run_scoped3A_110 : memref<!tpu.dma_semaphore, #tpu.memory_space<semaphore_mem>>)
        %dma_wait3A = arith.constant 0 : i32
        %dma_wait3A_120 = arith.constant 0 : i32
        %dma_wait3A_121 = tpu.memref_slice %arg6[%dma_wait3A, %dma_wait3A_120] : memref<79x128xi32, #tpu.memory_space<vmem>> -> memref<78x128xi32, #tpu.memory_space<vmem>>
        %dma_wait3A_122 = arith.constant 0 : i32
        %dma_wait3A_123 = tpu.memref_slice %arg3[%add3A_6, %dma_wait3A_122] : memref<1250x128xi32, #tpu.memory_space<hbm>> -> memref<78x128xi32, #tpu.memory_space<hbm>>
        %dma_wait3A_124 = arith.constant 0 : i32
        %dma_wait3A_125 = arith.constant 0 : i32
        %dma_wait3A_126 = tpu.memref_slice %arg6[%dma_wait3A_124, %dma_wait3A_125] : memref<79x128xi32, #tpu.memory_space<vmem>> -> memref<78x128xi32, #tpu.memory_space<vmem>>
        %dma_wait3A_127 = arith.constant 0 : i32
        %dma_wait3A_128 = tpu.memref_slice %arg3[%add3A_6, %dma_wait3A_127] : memref<1250x128xi32, #tpu.memory_space<hbm>> -> memref<78x128xi32, #tpu.memory_space<hbm>>
        tpu.wait_dma2 semaphore(%run_scoped3A_110 : memref<!tpu.dma_semaphore, #tpu.memory_space<semaphore_mem>>) src(%dma_wait3A_128 : memref<78x128xi32, #tpu.memory_space<hbm>>) dst(%dma_wait3A_126 : memref<78x128xi32, #tpu.memory_space<vmem>>)
        tpu.yield
      }) : () -> ()
      "tpu.region"() ({
        %run_scoped3A_110 = tpu.sem_alloc : memref<!tpu.dma_semaphore, #tpu.memory_space<semaphore_mem>>
        %dma_start3A = arith.constant 0 : i32
        %dma_start3A_111 = arith.constant 0 : i32
        %dma_start3A_112 = tpu.memref_slice %arg7[%dma_start3A, %dma_start3A_111] : memref<79x128xi32, #tpu.memory_space<vmem>> -> memref<78x128xi32, #tpu.memory_space<vmem>>
        %dma_start3A_113 = arith.constant 0 : i32
        %dma_start3A_114 = tpu.memref_slice %arg4[%add3A_6, %dma_start3A_113] : memref<1250x128xi32, #tpu.memory_space<hbm>> -> memref<78x128xi32, #tpu.memory_space<hbm>>
        %dma_start3A_115 = arith.constant 0 : i32
        %dma_start3A_116 = arith.constant 0 : i32
        %dma_start3A_117 = tpu.memref_slice %arg7[%dma_start3A_115, %dma_start3A_116] : memref<79x128xi32, #tpu.memory_space<vmem>> -> memref<78x128xi32, #tpu.memory_space<vmem>>
        %dma_start3A_118 = arith.constant 0 : i32
        %dma_start3A_119 = tpu.memref_slice %arg4[%add3A_6, %dma_start3A_118] : memref<1250x128xi32, #tpu.memory_space<hbm>> -> memref<78x128xi32, #tpu.memory_space<hbm>>
        tpu.enqueue_dma source(%dma_start3A_119 : memref<78x128xi32, #tpu.memory_space<hbm>>) target(%dma_start3A_117 : memref<78x128xi32, #tpu.memory_space<vmem>>) target_semaphore(%run_scoped3A_110 : memref<!tpu.dma_semaphore, #tpu.memory_space<semaphore_mem>>)
        %dma_wait3A = arith.constant 0 : i32
        %dma_wait3A_120 = arith.constant 0 : i32
        %dma_wait3A_121 = tpu.memref_slice %arg7[%dma_wait3A, %dma_wait3A_120] : memref<79x128xi32, #tpu.memory_space<vmem>> -> memref<78x128xi32, #tpu.memory_space<vmem>>
        %dma_wait3A_122 = arith.constant 0 : i32
        %dma_wait3A_123 = tpu.memref_slice %arg4[%add3A_6, %dma_wait3A_122] : memref<1250x128xi32, #tpu.memory_space<hbm>> -> memref<78x128xi32, #tpu.memory_space<hbm>>
        %dma_wait3A_124 = arith.constant 0 : i32
        %dma_wait3A_125 = arith.constant 0 : i32
        %dma_wait3A_126 = tpu.memref_slice %arg7[%dma_wait3A_124, %dma_wait3A_125] : memref<79x128xi32, #tpu.memory_space<vmem>> -> memref<78x128xi32, #tpu.memory_space<vmem>>
        %dma_wait3A_127 = arith.constant 0 : i32
        %dma_wait3A_128 = tpu.memref_slice %arg4[%add3A_6, %dma_wait3A_127] : memref<1250x128xi32, #tpu.memory_space<hbm>> -> memref<78x128xi32, #tpu.memory_space<hbm>>
        tpu.wait_dma2 semaphore(%run_scoped3A_110 : memref<!tpu.dma_semaphore, #tpu.memory_space<semaphore_mem>>) src(%dma_wait3A_128 : memref<78x128xi32, #tpu.memory_space<hbm>>) dst(%dma_wait3A_126 : memref<78x128xi32, #tpu.memory_space<vmem>>)
        tpu.yield
      }) : () -> ()
    } else {
    }
    %ge3A = arith.constant 14 : i32
    %ge3A_50 = arith.cmpi sge, %arg1, %ge3A : i32
    %convert_element_type3A_51 = arith.extui %ge3A_50 : i1 to i32
    %cond3A_52 = arith.constant 0 : i32
    %cond3A_53 = arith.cmpi ne, %convert_element_type3A_51, %cond3A_52 : i32
    scf.if %cond3A_53 {
      "tpu.region"() ({
        %run_scoped3A_110 = tpu.sem_alloc : memref<!tpu.dma_semaphore, #tpu.memory_space<semaphore_mem>>
        %dma_start3A = arith.constant 0 : i32
        %dma_start3A_111 = tpu.memref_slice %arg3[%add3A_6, %dma_start3A] : memref<1250x128xi32, #tpu.memory_space<hbm>> -> memref<79x128xi32, #tpu.memory_space<hbm>>
        %dma_start3A_112 = arith.constant 0 : i32
        %dma_start3A_113 = tpu.memref_slice %arg3[%add3A_6, %dma_start3A_112] : memref<1250x128xi32, #tpu.memory_space<hbm>> -> memref<79x128xi32, #tpu.memory_space<hbm>>
        tpu.enqueue_dma source(%dma_start3A_113 : memref<79x128xi32, #tpu.memory_space<hbm>>) target(%arg6 : memref<79x128xi32, #tpu.memory_space<vmem>>) target_semaphore(%run_scoped3A_110 : memref<!tpu.dma_semaphore, #tpu.memory_space<semaphore_mem>>)
        %dma_wait3A = arith.constant 0 : i32
        %dma_wait3A_114 = tpu.memref_slice %arg3[%add3A_6, %dma_wait3A] : memref<1250x128xi32, #tpu.memory_space<hbm>> -> memref<79x128xi32, #tpu.memory_space<hbm>>
        %dma_wait3A_115 = arith.constant 0 : i32
        %dma_wait3A_116 = tpu.memref_slice %arg3[%add3A_6, %dma_wait3A_115] : memref<1250x128xi32, #tpu.memory_space<hbm>> -> memref<79x128xi32, #tpu.memory_space<hbm>>
        tpu.wait_dma2 semaphore(%run_scoped3A_110 : memref<!tpu.dma_semaphore, #tpu.memory_space<semaphore_mem>>) src(%dma_wait3A_116 : memref<79x128xi32, #tpu.memory_space<hbm>>) dst(%arg6 : memref<79x128xi32, #tpu.memory_space<vmem>>)
        tpu.yield
      }) : () -> ()
      "tpu.region"() ({
        %run_scoped3A_110 = tpu.sem_alloc : memref<!tpu.dma_semaphore, #tpu.memory_space<semaphore_mem>>
        %dma_start3A = arith.constant 0 : i32
        %dma_start3A_111 = tpu.memref_slice %arg4[%add3A_6, %dma_start3A] : memref<1250x128xi32, #tpu.memory_space<hbm>> -> memref<79x128xi32, #tpu.memory_space<hbm>>
        %dma_start3A_112 = arith.constant 0 : i32
        %dma_start3A_113 = tpu.memref_slice %arg4[%add3A_6, %dma_start3A_112] : memref<1250x128xi32, #tpu.memory_space<hbm>> -> memref<79x128xi32, #tpu.memory_space<hbm>>
        tpu.enqueue_dma source(%dma_start3A_113 : memref<79x128xi32, #tpu.memory_space<hbm>>) target(%arg7 : memref<79x128xi32, #tpu.memory_space<vmem>>) target_semaphore(%run_scoped3A_110 : memref<!tpu.dma_semaphore, #tpu.memory_space<semaphore_mem>>)
        %dma_wait3A = arith.constant 0 : i32
        %dma_wait3A_114 = tpu.memref_slice %arg4[%add3A_6, %dma_wait3A] : memref<1250x128xi32, #tpu.memory_space<hbm>> -> memref<79x128xi32, #tpu.memory_space<hbm>>
        %dma_wait3A_115 = arith.constant 0 : i32
        %dma_wait3A_116 = tpu.memref_slice %arg4[%add3A_6, %dma_wait3A_115] : memref<1250x128xi32, #tpu.memory_space<hbm>> -> memref<79x128xi32, #tpu.memory_space<hbm>>
        tpu.wait_dma2 semaphore(%run_scoped3A_110 : memref<!tpu.dma_semaphore, #tpu.memory_space<semaphore_mem>>) src(%dma_wait3A_116 : memref<79x128xi32, #tpu.memory_space<hbm>>) dst(%arg7 : memref<79x128xi32, #tpu.memory_space<vmem>>)
        tpu.yield
      }) : () -> ()
    } else {
    }
    %barrier3A = arith.constant 0 : index
    tpu.barrier barrier_id(%barrier3A)
    %gt3A = arith.constant 0 : i32
    %gt3A_54 = arith.cmpi sgt, %add3A_2, %gt3A : i32
    %convert_element_type3A_55 = arith.extui %gt3A_54 : i1 to i32
    %cond3A_56 = arith.constant 0 : i32
    %cond3A_57 = arith.cmpi ne, %convert_element_type3A_55, %cond3A_56 : i32
    scf.if %cond3A_57 {
      %dma_start3A = arith.constant 0 : i32
      %dma_start3A_110 = arith.constant 0 : i32
      %dma_start3A_111 = arith.constant 0 : i32
      %dma_start3A_112 = arith.constant 0 : i32
      %dma_start3A_113 = arith.constant 0 : i32
      %dma_start3A_114 = tpu.memref_slice %arg8[%dma_start3A_110, %dma_start3A_112, %dma_start3A_113] : memref<8x128x16xf32, #tpu.memory_space<vmem>> -> memref<1x128x16xf32, #tpu.memory_space<vmem>>
      %dma_start3A_115 = tpu.memref_squeeze %dma_start3A_114 : memref<1x128x16xf32, #tpu.memory_space<vmem>> -> memref<128x16xf32, #tpu.memory_space<vmem>>
      %dma_start3A_116 = arith.constant 0 : i32
      %dma_start3A_117 = tpu.memref_slice %arg7[%dma_start3A, %dma_start3A_116] : memref<79x128xi32, #tpu.memory_space<vmem>> -> memref<1x128xi32, #tpu.memory_space<vmem>>
      %dma_start3A_118 = tpu.memref_squeeze %dma_start3A_117 : memref<1x128xi32, #tpu.memory_space<vmem>> -> memref<128xi32, #tpu.memory_space<vmem>>
      %dma_start3A_119 = arith.constant 0 : i32
      %dma_start3A_120 = arith.constant 0 : i32
      %dma_start3A_121 = tpu.memref_slice %arg10[%dma_start3A_119, %dma_start3A_120] : memref<10000x16xf32, #tpu.memory_space<vmem_shared>> -> memref<10000x16xf32, #tpu.memory_space<vmem_shared>>
      %dma_start3A_122 = tpu.memref_slice %arg11[%dma_start3A_111] : memref<8x!tpu.dma_semaphore, #tpu.memory_space<semaphore_mem>> -> memref<1x!tpu.dma_semaphore, #tpu.memory_space<semaphore_mem>>
      %dma_start3A_123 = tpu.memref_squeeze %dma_start3A_122 : memref<1x!tpu.dma_semaphore, #tpu.memory_space<semaphore_mem>> -> memref<!tpu.dma_semaphore, #tpu.memory_space<semaphore_mem>>
      tpu.enqueue_indirect_dma source(%dma_start3A_121 : memref<10000x16xf32, #tpu.memory_space<vmem_shared>>) target(%dma_start3A_115 : memref<128x16xf32, #tpu.memory_space<vmem>>) offsets(%dma_start3A_118 : memref<128xi32, #tpu.memory_space<vmem>>) semaphore(%dma_start3A_123 : memref<!tpu.dma_semaphore, #tpu.memory_space<semaphore_mem>>)
    } else {
    }
    %gt3A_58 = arith.constant 1 : i32
    %gt3A_59 = arith.cmpi sgt, %add3A_2, %gt3A_58 : i32
    %convert_element_type3A_60 = arith.extui %gt3A_59 : i1 to i32
    %cond3A_61 = arith.constant 0 : i32
    %cond3A_62 = arith.cmpi ne, %convert_element_type3A_60, %cond3A_61 : i32
    scf.if %cond3A_62 {
      %dma_start3A = arith.constant 1 : i32
      %dma_start3A_110 = arith.constant 1 : i32
      %dma_start3A_111 = arith.constant 1 : i32
      %dma_start3A_112 = arith.constant 0 : i32
      %dma_start3A_113 = arith.constant 0 : i32
      %dma_start3A_114 = tpu.memref_slice %arg8[%dma_start3A_110, %dma_start3A_112, %dma_start3A_113] : memref<8x128x16xf32, #tpu.memory_space<vmem>> -> memref<1x128x16xf32, #tpu.memory_space<vmem>>
      %dma_start3A_115 = tpu.memref_squeeze %dma_start3A_114 : memref<1x128x16xf32, #tpu.memory_space<vmem>> -> memref<128x16xf32, #tpu.memory_space<vmem>>
      %dma_start3A_116 = arith.constant 0 : i32
      %dma_start3A_117 = tpu.memref_slice %arg7[%dma_start3A, %dma_start3A_116] : memref<79x128xi32, #tpu.memory_space<vmem>> -> memref<1x128xi32, #tpu.memory_space<vmem>>
      %dma_start3A_118 = tpu.memref_squeeze %dma_start3A_117 : memref<1x128xi32, #tpu.memory_space<vmem>> -> memref<128xi32, #tpu.memory_space<vmem>>
      %dma_start3A_119 = arith.constant 0 : i32
      %dma_start3A_120 = arith.constant 0 : i32
      %dma_start3A_121 = tpu.memref_slice %arg10[%dma_start3A_119, %dma_start3A_120] : memref<10000x16xf32, #tpu.memory_space<vmem_shared>> -> memref<10000x16xf32, #tpu.memory_space<vmem_shared>>
      %dma_start3A_122 = tpu.memref_slice %arg11[%dma_start3A_111] : memref<8x!tpu.dma_semaphore, #tpu.memory_space<semaphore_mem>> -> memref<1x!tpu.dma_semaphore, #tpu.memory_space<semaphore_mem>>
      %dma_start3A_123 = tpu.memref_squeeze %dma_start3A_122 : memref<1x!tpu.dma_semaphore, #tpu.memory_space<semaphore_mem>> -> memref<!tpu.dma_semaphore, #tpu.memory_space<semaphore_mem>>
      tpu.enqueue_indirect_dma source(%dma_start3A_121 : memref<10000x16xf32, #tpu.memory_space<vmem_shared>>) target(%dma_start3A_115 : memref<128x16xf32, #tpu.memory_space<vmem>>) offsets(%dma_start3A_118 : memref<128xi32, #tpu.memory_space<vmem>>) semaphore(%dma_start3A_123 : memref<!tpu.dma_semaphore, #tpu.memory_space<semaphore_mem>>)
    } else {
    }
    %gt3A_63 = arith.constant 2 : i32
    %gt3A_64 = arith.cmpi sgt, %add3A_2, %gt3A_63 : i32
    %convert_element_type3A_65 = arith.extui %gt3A_64 : i1 to i32
    %cond3A_66 = arith.constant 0 : i32
    %cond3A_67 = arith.cmpi ne, %convert_element_type3A_65, %cond3A_66 : i32
    scf.if %cond3A_67 {
      %dma_start3A = arith.constant 2 : i32
      %dma_start3A_110 = arith.constant 2 : i32
      %dma_start3A_111 = arith.constant 2 : i32
      %dma_start3A_112 = arith.constant 0 : i32
      %dma_start3A_113 = arith.constant 0 : i32
      %dma_start3A_114 = tpu.memref_slice %arg8[%dma_start3A_110, %dma_start3A_112, %dma_start3A_113] : memref<8x128x16xf32, #tpu.memory_space<vmem>> -> memref<1x128x16xf32, #tpu.memory_space<vmem>>
      %dma_start3A_115 = tpu.memref_squeeze %dma_start3A_114 : memref<1x128x16xf32, #tpu.memory_space<vmem>> -> memref<128x16xf32, #tpu.memory_space<vmem>>
      %dma_start3A_116 = arith.constant 0 : i32
      %dma_start3A_117 = tpu.memref_slice %arg7[%dma_start3A, %dma_start3A_116] : memref<79x128xi32, #tpu.memory_space<vmem>> -> memref<1x128xi32, #tpu.memory_space<vmem>>
      %dma_start3A_118 = tpu.memref_squeeze %dma_start3A_117 : memref<1x128xi32, #tpu.memory_space<vmem>> -> memref<128xi32, #tpu.memory_space<vmem>>
      %dma_start3A_119 = arith.constant 0 : i32
      %dma_start3A_120 = arith.constant 0 : i32
      %dma_start3A_121 = tpu.memref_slice %arg10[%dma_start3A_119, %dma_start3A_120] : memref<10000x16xf32, #tpu.memory_space<vmem_shared>> -> memref<10000x16xf32, #tpu.memory_space<vmem_shared>>
      %dma_start3A_122 = tpu.memref_slice %arg11[%dma_start3A_111] : memref<8x!tpu.dma_semaphore, #tpu.memory_space<semaphore_mem>> -> memref<1x!tpu.dma_semaphore, #tpu.memory_space<semaphore_mem>>
      %dma_start3A_123 = tpu.memref_squeeze %dma_start3A_122 : memref<1x!tpu.dma_semaphore, #tpu.memory_space<semaphore_mem>> -> memref<!tpu.dma_semaphore, #tpu.memory_space<semaphore_mem>>
      tpu.enqueue_indirect_dma source(%dma_start3A_121 : memref<10000x16xf32, #tpu.memory_space<vmem_shared>>) target(%dma_start3A_115 : memref<128x16xf32, #tpu.memory_space<vmem>>) offsets(%dma_start3A_118 : memref<128xi32, #tpu.memory_space<vmem>>) semaphore(%dma_start3A_123 : memref<!tpu.dma_semaphore, #tpu.memory_space<semaphore_mem>>)
    } else {
    }
    %gt3A_68 = arith.constant 3 : i32
    %gt3A_69 = arith.cmpi sgt, %add3A_2, %gt3A_68 : i32
    %convert_element_type3A_70 = arith.extui %gt3A_69 : i1 to i32
    %cond3A_71 = arith.constant 0 : i32
    %cond3A_72 = arith.cmpi ne, %convert_element_type3A_70, %cond3A_71 : i32
    scf.if %cond3A_72 {
      %dma_start3A = arith.constant 3 : i32
      %dma_start3A_110 = arith.constant 3 : i32
      %dma_start3A_111 = arith.constant 3 : i32
      %dma_start3A_112 = arith.constant 0 : i32
      %dma_start3A_113 = arith.constant 0 : i32
      %dma_start3A_114 = tpu.memref_slice %arg8[%dma_start3A_110, %dma_start3A_112, %dma_start3A_113] : memref<8x128x16xf32, #tpu.memory_space<vmem>> -> memref<1x128x16xf32, #tpu.memory_space<vmem>>
      %dma_start3A_115 = tpu.memref_squeeze %dma_start3A_114 : memref<1x128x16xf32, #tpu.memory_space<vmem>> -> memref<128x16xf32, #tpu.memory_space<vmem>>
      %dma_start3A_116 = arith.constant 0 : i32
      %dma_start3A_117 = tpu.memref_slice %arg7[%dma_start3A, %dma_start3A_116] : memref<79x128xi32, #tpu.memory_space<vmem>> -> memref<1x128xi32, #tpu.memory_space<vmem>>
      %dma_start3A_118 = tpu.memref_squeeze %dma_start3A_117 : memref<1x128xi32, #tpu.memory_space<vmem>> -> memref<128xi32, #tpu.memory_space<vmem>>
      %dma_start3A_119 = arith.constant 0 : i32
      %dma_start3A_120 = arith.constant 0 : i32
      %dma_start3A_121 = tpu.memref_slice %arg10[%dma_start3A_119, %dma_start3A_120] : memref<10000x16xf32, #tpu.memory_space<vmem_shared>> -> memref<10000x16xf32, #tpu.memory_space<vmem_shared>>
      %dma_start3A_122 = tpu.memref_slice %arg11[%dma_start3A_111] : memref<8x!tpu.dma_semaphore, #tpu.memory_space<semaphore_mem>> -> memref<1x!tpu.dma_semaphore, #tpu.memory_space<semaphore_mem>>
      %dma_start3A_123 = tpu.memref_squeeze %dma_start3A_122 : memref<1x!tpu.dma_semaphore, #tpu.memory_space<semaphore_mem>> -> memref<!tpu.dma_semaphore, #tpu.memory_space<semaphore_mem>>
      tpu.enqueue_indirect_dma source(%dma_start3A_121 : memref<10000x16xf32, #tpu.memory_space<vmem_shared>>) target(%dma_start3A_115 : memref<128x16xf32, #tpu.memory_space<vmem>>) offsets(%dma_start3A_118 : memref<128xi32, #tpu.memory_space<vmem>>) semaphore(%dma_start3A_123 : memref<!tpu.dma_semaphore, #tpu.memory_space<semaphore_mem>>)
    } else {
    }
    %gt3A_73 = arith.constant 4 : i32
    %gt3A_74 = arith.cmpi sgt, %add3A_2, %gt3A_73 : i32
    %convert_element_type3A_75 = arith.extui %gt3A_74 : i1 to i32
    %cond3A_76 = arith.constant 0 : i32
    %cond3A_77 = arith.cmpi ne, %convert_element_type3A_75, %cond3A_76 : i32
    scf.if %cond3A_77 {
      %dma_start3A = arith.constant 4 : i32
      %dma_start3A_110 = arith.constant 4 : i32
      %dma_start3A_111 = arith.constant 4 : i32
      %dma_start3A_112 = arith.constant 0 : i32
      %dma_start3A_113 = arith.constant 0 : i32
      %dma_start3A_114 = tpu.memref_slice %arg8[%dma_start3A_110, %dma_start3A_112, %dma_start3A_113] : memref<8x128x16xf32, #tpu.memory_space<vmem>> -> memref<1x128x16xf32, #tpu.memory_space<vmem>>
      %dma_start3A_115 = tpu.memref_squeeze %dma_start3A_114 : memref<1x128x16xf32, #tpu.memory_space<vmem>> -> memref<128x16xf32, #tpu.memory_space<vmem>>
      %dma_start3A_116 = arith.constant 0 : i32
      %dma_start3A_117 = tpu.memref_slice %arg7[%dma_start3A, %dma_start3A_116] : memref<79x128xi32, #tpu.memory_space<vmem>> -> memref<1x128xi32, #tpu.memory_space<vmem>>
      %dma_start3A_118 = tpu.memref_squeeze %dma_start3A_117 : memref<1x128xi32, #tpu.memory_space<vmem>> -> memref<128xi32, #tpu.memory_space<vmem>>
      %dma_start3A_119 = arith.constant 0 : i32
      %dma_start3A_120 = arith.constant 0 : i32
      %dma_start3A_121 = tpu.memref_slice %arg10[%dma_start3A_119, %dma_start3A_120] : memref<10000x16xf32, #tpu.memory_space<vmem_shared>> -> memref<10000x16xf32, #tpu.memory_space<vmem_shared>>
      %dma_start3A_122 = tpu.memref_slice %arg11[%dma_start3A_111] : memref<8x!tpu.dma_semaphore, #tpu.memory_space<semaphore_mem>> -> memref<1x!tpu.dma_semaphore, #tpu.memory_space<semaphore_mem>>
      %dma_start3A_123 = tpu.memref_squeeze %dma_start3A_122 : memref<1x!tpu.dma_semaphore, #tpu.memory_space<semaphore_mem>> -> memref<!tpu.dma_semaphore, #tpu.memory_space<semaphore_mem>>
      tpu.enqueue_indirect_dma source(%dma_start3A_121 : memref<10000x16xf32, #tpu.memory_space<vmem_shared>>) target(%dma_start3A_115 : memref<128x16xf32, #tpu.memory_space<vmem>>) offsets(%dma_start3A_118 : memref<128xi32, #tpu.memory_space<vmem>>) semaphore(%dma_start3A_123 : memref<!tpu.dma_semaphore, #tpu.memory_space<semaphore_mem>>)
    } else {
    }
    %gt3A_78 = arith.constant 5 : i32
    %gt3A_79 = arith.cmpi sgt, %add3A_2, %gt3A_78 : i32
    %convert_element_type3A_80 = arith.extui %gt3A_79 : i1 to i32
    %cond3A_81 = arith.constant 0 : i32
    %cond3A_82 = arith.cmpi ne, %convert_element_type3A_80, %cond3A_81 : i32
    scf.if %cond3A_82 {
      %dma_start3A = arith.constant 5 : i32
      %dma_start3A_110 = arith.constant 5 : i32
      %dma_start3A_111 = arith.constant 5 : i32
      %dma_start3A_112 = arith.constant 0 : i32
      %dma_start3A_113 = arith.constant 0 : i32
      %dma_start3A_114 = tpu.memref_slice %arg8[%dma_start3A_110, %dma_start3A_112, %dma_start3A_113] : memref<8x128x16xf32, #tpu.memory_space<vmem>> -> memref<1x128x16xf32, #tpu.memory_space<vmem>>
      %dma_start3A_115 = tpu.memref_squeeze %dma_start3A_114 : memref<1x128x16xf32, #tpu.memory_space<vmem>> -> memref<128x16xf32, #tpu.memory_space<vmem>>
      %dma_start3A_116 = arith.constant 0 : i32
      %dma_start3A_117 = tpu.memref_slice %arg7[%dma_start3A, %dma_start3A_116] : memref<79x128xi32, #tpu.memory_space<vmem>> -> memref<1x128xi32, #tpu.memory_space<vmem>>
      %dma_start3A_118 = tpu.memref_squeeze %dma_start3A_117 : memref<1x128xi32, #tpu.memory_space<vmem>> -> memref<128xi32, #tpu.memory_space<vmem>>
      %dma_start3A_119 = arith.constant 0 : i32
      %dma_start3A_120 = arith.constant 0 : i32
      %dma_start3A_121 = tpu.memref_slice %arg10[%dma_start3A_119, %dma_start3A_120] : memref<10000x16xf32, #tpu.memory_space<vmem_shared>> -> memref<10000x16xf32, #tpu.memory_space<vmem_shared>>
      %dma_start3A_122 = tpu.memref_slice %arg11[%dma_start3A_111] : memref<8x!tpu.dma_semaphore, #tpu.memory_space<semaphore_mem>> -> memref<1x!tpu.dma_semaphore, #tpu.memory_space<semaphore_mem>>
      %dma_start3A_123 = tpu.memref_squeeze %dma_start3A_122 : memref<1x!tpu.dma_semaphore, #tpu.memory_space<semaphore_mem>> -> memref<!tpu.dma_semaphore, #tpu.memory_space<semaphore_mem>>
      tpu.enqueue_indirect_dma source(%dma_start3A_121 : memref<10000x16xf32, #tpu.memory_space<vmem_shared>>) target(%dma_start3A_115 : memref<128x16xf32, #tpu.memory_space<vmem>>) offsets(%dma_start3A_118 : memref<128xi32, #tpu.memory_space<vmem>>) semaphore(%dma_start3A_123 : memref<!tpu.dma_semaphore, #tpu.memory_space<semaphore_mem>>)
    } else {
    }
    %gt3A_83 = arith.constant 6 : i32
    %gt3A_84 = arith.cmpi sgt, %add3A_2, %gt3A_83 : i32
    %convert_element_type3A_85 = arith.extui %gt3A_84 : i1 to i32
    %cond3A_86 = arith.constant 0 : i32
    %cond3A_87 = arith.cmpi ne, %convert_element_type3A_85, %cond3A_86 : i32
    scf.if %cond3A_87 {
      %dma_start3A = arith.constant 6 : i32
      %dma_start3A_110 = arith.constant 6 : i32
      %dma_start3A_111 = arith.constant 6 : i32
      %dma_start3A_112 = arith.constant 0 : i32
      %dma_start3A_113 = arith.constant 0 : i32
      %dma_start3A_114 = tpu.memref_slice %arg8[%dma_start3A_110, %dma_start3A_112, %dma_start3A_113] : memref<8x128x16xf32, #tpu.memory_space<vmem>> -> memref<1x128x16xf32, #tpu.memory_space<vmem>>
      %dma_start3A_115 = tpu.memref_squeeze %dma_start3A_114 : memref<1x128x16xf32, #tpu.memory_space<vmem>> -> memref<128x16xf32, #tpu.memory_space<vmem>>
      %dma_start3A_116 = arith.constant 0 : i32
      %dma_start3A_117 = tpu.memref_slice %arg7[%dma_start3A, %dma_start3A_116] : memref<79x128xi32, #tpu.memory_space<vmem>> -> memref<1x128xi32, #tpu.memory_space<vmem>>
      %dma_start3A_118 = tpu.memref_squeeze %dma_start3A_117 : memref<1x128xi32, #tpu.memory_space<vmem>> -> memref<128xi32, #tpu.memory_space<vmem>>
      %dma_start3A_119 = arith.constant 0 : i32
      %dma_start3A_120 = arith.constant 0 : i32
      %dma_start3A_121 = tpu.memref_slice %arg10[%dma_start3A_119, %dma_start3A_120] : memref<10000x16xf32, #tpu.memory_space<vmem_shared>> -> memref<10000x16xf32, #tpu.memory_space<vmem_shared>>
      %dma_start3A_122 = tpu.memref_slice %arg11[%dma_start3A_111] : memref<8x!tpu.dma_semaphore, #tpu.memory_space<semaphore_mem>> -> memref<1x!tpu.dma_semaphore, #tpu.memory_space<semaphore_mem>>
      %dma_start3A_123 = tpu.memref_squeeze %dma_start3A_122 : memref<1x!tpu.dma_semaphore, #tpu.memory_space<semaphore_mem>> -> memref<!tpu.dma_semaphore, #tpu.memory_space<semaphore_mem>>
      tpu.enqueue_indirect_dma source(%dma_start3A_121 : memref<10000x16xf32, #tpu.memory_space<vmem_shared>>) target(%dma_start3A_115 : memref<128x16xf32, #tpu.memory_space<vmem>>) offsets(%dma_start3A_118 : memref<128xi32, #tpu.memory_space<vmem>>) semaphore(%dma_start3A_123 : memref<!tpu.dma_semaphore, #tpu.memory_space<semaphore_mem>>)
    } else {
    }
    %gt3A_88 = arith.constant 7 : i32
    %gt3A_89 = arith.cmpi sgt, %add3A_2, %gt3A_88 : i32
    %convert_element_type3A_90 = arith.extui %gt3A_89 : i1 to i32
    %cond3A_91 = arith.constant 0 : i32
    %cond3A_92 = arith.cmpi ne, %convert_element_type3A_90, %cond3A_91 : i32
    scf.if %cond3A_92 {
      %dma_start3A = arith.constant 7 : i32
      %dma_start3A_110 = arith.constant 7 : i32
      %dma_start3A_111 = arith.constant 7 : i32
      %dma_start3A_112 = arith.constant 0 : i32
      %dma_start3A_113 = arith.constant 0 : i32
      %dma_start3A_114 = tpu.memref_slice %arg8[%dma_start3A_110, %dma_start3A_112, %dma_start3A_113] : memref<8x128x16xf32, #tpu.memory_space<vmem>> -> memref<1x128x16xf32, #tpu.memory_space<vmem>>
      %dma_start3A_115 = tpu.memref_squeeze %dma_start3A_114 : memref<1x128x16xf32, #tpu.memory_space<vmem>> -> memref<128x16xf32, #tpu.memory_space<vmem>>
      %dma_start3A_116 = arith.constant 0 : i32
      %dma_start3A_117 = tpu.memref_slice %arg7[%dma_start3A, %dma_start3A_116] : memref<79x128xi32, #tpu.memory_space<vmem>> -> memref<1x128xi32, #tpu.memory_space<vmem>>
      %dma_start3A_118 = tpu.memref_squeeze %dma_start3A_117 : memref<1x128xi32, #tpu.memory_space<vmem>> -> memref<128xi32, #tpu.memory_space<vmem>>
      %dma_start3A_119 = arith.constant 0 : i32
      %dma_start3A_120 = arith.constant 0 : i32
      %dma_start3A_121 = tpu.memref_slice %arg10[%dma_start3A_119, %dma_start3A_120] : memref<10000x16xf32, #tpu.memory_space<vmem_shared>> -> memref<10000x16xf32, #tpu.memory_space<vmem_shared>>
      %dma_start3A_122 = tpu.memref_slice %arg11[%dma_start3A_111] : memref<8x!tpu.dma_semaphore, #tpu.memory_space<semaphore_mem>> -> memref<1x!tpu.dma_semaphore, #tpu.memory_space<semaphore_mem>>
      %dma_start3A_123 = tpu.memref_squeeze %dma_start3A_122 : memref<1x!tpu.dma_semaphore, #tpu.memory_space<semaphore_mem>> -> memref<!tpu.dma_semaphore, #tpu.memory_space<semaphore_mem>>
      tpu.enqueue_indirect_dma source(%dma_start3A_121 : memref<10000x16xf32, #tpu.memory_space<vmem_shared>>) target(%dma_start3A_115 : memref<128x16xf32, #tpu.memory_space<vmem>>) offsets(%dma_start3A_118 : memref<128xi32, #tpu.memory_space<vmem>>) semaphore(%dma_start3A_123 : memref<!tpu.dma_semaphore, #tpu.memory_space<semaphore_mem>>)
    } else {
    }
    %scan3A_93 = arith.constant 0 : i32
    %scan3A_94 = arith.constant 0 : i32
    %scan3A_95 = arith.constant 10 : i32
    %scan3A_96 = arith.addi %scan3A_94, %scan3A_95 : i32
    %scan3A_97 = arith.constant 1 : i32
    scf.for %scan3A_110 = %scan3A_94 to %scan3A_96 step %scan3A_97  : i32 {
      %mul3A_111 = arith.constant 8 : i32
      %mul3A_112 = arith.muli %scan3A_110, %mul3A_111 : i32
      %add3A_113 = arith.constant 0 : i32
      %add3A_114 = arith.addi %mul3A_112, %add3A_113 : i32
      %lt3A_115 = arith.cmpi slt, %add3A_114, %add3A_2 : i32
      %convert_element_type3A_116 = arith.extui %lt3A_115 : i1 to i32
      %cond3A_117 = arith.constant 0 : i32
      %cond3A_118 = arith.cmpi ne, %convert_element_type3A_116, %cond3A_117 : i32
      scf.if %cond3A_118 {
        %dma_wait3A = arith.constant 0 : i32
        %dma_wait3A_175 = arith.constant 0 : i32
        %dma_wait3A_176 = arith.constant 0 : i32
        %dma_wait3A_177 = arith.constant 0 : i32
        %dma_wait3A_178 = tpu.memref_slice %arg8[%dma_wait3A, %dma_wait3A_176, %dma_wait3A_177] : memref<8x128x16xf32, #tpu.memory_space<vmem>> -> memref<1x128x16xf32, #tpu.memory_space<vmem>>
        %dma_wait3A_179 = tpu.memref_squeeze %dma_wait3A_178 : memref<1x128x16xf32, #tpu.memory_space<vmem>> -> memref<128x16xf32, #tpu.memory_space<vmem>>
        %dma_wait3A_180 = arith.constant 0 : i32
        %dma_wait3A_181 = tpu.memref_slice %arg7[%add3A_114, %dma_wait3A_180] : memref<79x128xi32, #tpu.memory_space<vmem>> -> memref<1x128xi32, #tpu.memory_space<vmem>>
        %dma_wait3A_182 = tpu.memref_squeeze %dma_wait3A_181 : memref<1x128xi32, #tpu.memory_space<vmem>> -> memref<128xi32, #tpu.memory_space<vmem>>
        %dma_wait3A_183 = arith.constant 0 : i32
        %dma_wait3A_184 = arith.constant 0 : i32
        %dma_wait3A_185 = tpu.memref_slice %arg10[%dma_wait3A_183, %dma_wait3A_184] : memref<10000x16xf32, #tpu.memory_space<vmem_shared>> -> memref<10000x16xf32, #tpu.memory_space<vmem_shared>>
        %dma_wait3A_186 = tpu.memref_slice %arg11[%dma_wait3A_175] : memref<8x!tpu.dma_semaphore, #tpu.memory_space<semaphore_mem>> -> memref<1x!tpu.dma_semaphore, #tpu.memory_space<semaphore_mem>>
        %dma_wait3A_187 = tpu.memref_squeeze %dma_wait3A_186 : memref<1x!tpu.dma_semaphore, #tpu.memory_space<semaphore_mem>> -> memref<!tpu.dma_semaphore, #tpu.memory_space<semaphore_mem>>
        tpu.wait_indirect_dma semaphore(%dma_wait3A_187 : memref<!tpu.dma_semaphore, #tpu.memory_space<semaphore_mem>>) src(%dma_wait3A_185 : memref<10000x16xf32, #tpu.memory_space<vmem_shared>>) dst(%dma_wait3A_179 : memref<128x16xf32, #tpu.memory_space<vmem>>)
        %run_scoped3A_188 = arith.constant 0 : i32
        "tpu.region"() ({
          %run_scoped3A_195 = tpu.sem_alloc : memref<!tpu.dma_semaphore, #tpu.memory_space<semaphore_mem>>
          %dma_start3A = arith.constant 0 : i32
          %dma_start3A_196 = arith.constant 0 : i32
          %dma_start3A_197 = tpu.memref_slice %arg8[%run_scoped3A_188, %dma_start3A, %dma_start3A_196] : memref<8x128x16xf32, #tpu.memory_space<vmem>> -> memref<1x128x16xf32, #tpu.memory_space<vmem>>
          %dma_start3A_198 = tpu.memref_squeeze %dma_start3A_197 : memref<1x128x16xf32, #tpu.memory_space<vmem>> -> memref<128x16xf32, #tpu.memory_space<vmem>>
          %dma_start3A_199 = arith.constant 0 : i32
          %dma_start3A_200 = tpu.memref_slice %arg6[%add3A_114, %dma_start3A_199] : memref<79x128xi32, #tpu.memory_space<vmem>> -> memref<1x128xi32, #tpu.memory_space<vmem>>
          %dma_start3A_201 = tpu.memref_squeeze %dma_start3A_200 : memref<1x128xi32, #tpu.memory_space<vmem>> -> memref<128xi32, #tpu.memory_space<vmem>>
          %dma_start3A_202 = arith.constant 0 : i32
          %dma_start3A_203 = arith.constant 0 : i32
          %dma_start3A_204 = tpu.memref_slice %arg9[%dma_start3A_202, %dma_start3A_203] : memref<10112x16xf32, #tpu.memory_space<vmem_shared>> -> memref<10112x16xf32, #tpu.memory_space<vmem_shared>>
          tpu.enqueue_indirect_dma source(%dma_start3A_198 : memref<128x16xf32, #tpu.memory_space<vmem>>) target(%dma_start3A_204 : memref<10112x16xf32, #tpu.memory_space<vmem_shared>>) offsets(%dma_start3A_201 : memref<128xi32, #tpu.memory_space<vmem>>) semaphore(%run_scoped3A_195 : memref<!tpu.dma_semaphore, #tpu.memory_space<semaphore_mem>>) {add = true}
          %dma_wait3A_205 = arith.constant 0 : i32
          %dma_wait3A_206 = arith.constant 0 : i32
          %dma_wait3A_207 = tpu.memref_slice %arg8[%run_scoped3A_188, %dma_wait3A_205, %dma_wait3A_206] : memref<8x128x16xf32, #tpu.memory_space<vmem>> -> memref<1x128x16xf32, #tpu.memory_space<vmem>>
          %dma_wait3A_208 = tpu.memref_squeeze %dma_wait3A_207 : memref<1x128x16xf32, #tpu.memory_space<vmem>> -> memref<128x16xf32, #tpu.memory_space<vmem>>
          %dma_wait3A_209 = arith.constant 0 : i32
          %dma_wait3A_210 = tpu.memref_slice %arg6[%add3A_114, %dma_wait3A_209] : memref<79x128xi32, #tpu.memory_space<vmem>> -> memref<1x128xi32, #tpu.memory_space<vmem>>
          %dma_wait3A_211 = tpu.memref_squeeze %dma_wait3A_210 : memref<1x128xi32, #tpu.memory_space<vmem>> -> memref<128xi32, #tpu.memory_space<vmem>>
          %dma_wait3A_212 = arith.constant 0 : i32
          %dma_wait3A_213 = arith.constant 0 : i32
          %dma_wait3A_214 = tpu.memref_slice %arg9[%dma_wait3A_212, %dma_wait3A_213] : memref<10112x16xf32, #tpu.memory_space<vmem_shared>> -> memref<10112x16xf32, #tpu.memory_space<vmem_shared>>
          tpu.wait_indirect_dma semaphore(%run_scoped3A_195 : memref<!tpu.dma_semaphore, #tpu.memory_space<semaphore_mem>>) src(%dma_wait3A_208 : memref<128x16xf32, #tpu.memory_space<vmem>>) dst(%dma_wait3A_214 : memref<10112x16xf32, #tpu.memory_space<vmem_shared>>)
          tpu.yield
        }) : () -> ()
        %add3A_189 = arith.constant 8 : i32
        %add3A_190 = arith.addi %add3A_114, %add3A_189 : i32
        %lt3A_191 = arith.cmpi slt, %add3A_190, %add3A_2 : i32
        %convert_element_type3A_192 = arith.extui %lt3A_191 : i1 to i32
        %cond3A_193 = arith.constant 0 : i32
        %cond3A_194 = arith.cmpi ne, %convert_element_type3A_192, %cond3A_193 : i32
        scf.if %cond3A_194 {
          %dma_start3A = arith.constant 0 : i32
          %dma_start3A_195 = arith.constant 0 : i32
          %dma_start3A_196 = arith.constant 0 : i32
          %dma_start3A_197 = arith.constant 0 : i32
          %dma_start3A_198 = tpu.memref_slice %arg8[%dma_start3A, %dma_start3A_196, %dma_start3A_197] : memref<8x128x16xf32, #tpu.memory_space<vmem>> -> memref<1x128x16xf32, #tpu.memory_space<vmem>>
          %dma_start3A_199 = tpu.memref_squeeze %dma_start3A_198 : memref<1x128x16xf32, #tpu.memory_space<vmem>> -> memref<128x16xf32, #tpu.memory_space<vmem>>
          %dma_start3A_200 = arith.constant 0 : i32
          %dma_start3A_201 = tpu.memref_slice %arg7[%add3A_190, %dma_start3A_200] : memref<79x128xi32, #tpu.memory_space<vmem>> -> memref<1x128xi32, #tpu.memory_space<vmem>>
          %dma_start3A_202 = tpu.memref_squeeze %dma_start3A_201 : memref<1x128xi32, #tpu.memory_space<vmem>> -> memref<128xi32, #tpu.memory_space<vmem>>
          %dma_start3A_203 = arith.constant 0 : i32
          %dma_start3A_204 = arith.constant 0 : i32
          %dma_start3A_205 = tpu.memref_slice %arg10[%dma_start3A_203, %dma_start3A_204] : memref<10000x16xf32, #tpu.memory_space<vmem_shared>> -> memref<10000x16xf32, #tpu.memory_space<vmem_shared>>
          %dma_start3A_206 = tpu.memref_slice %arg11[%dma_start3A_195] : memref<8x!tpu.dma_semaphore, #tpu.memory_space<semaphore_mem>> -> memref<1x!tpu.dma_semaphore, #tpu.memory_space<semaphore_mem>>
          %dma_start3A_207 = tpu.memref_squeeze %dma_start3A_206 : memref<1x!tpu.dma_semaphore, #tpu.memory_space<semaphore_mem>> -> memref<!tpu.dma_semaphore, #tpu.memory_space<semaphore_mem>>
          tpu.enqueue_indirect_dma source(%dma_start3A_205 : memref<10000x16xf32, #tpu.memory_space<vmem_shared>>) target(%dma_start3A_199 : memref<128x16xf32, #tpu.memory_space<vmem>>) offsets(%dma_start3A_202 : memref<128xi32, #tpu.memory_space<vmem>>) semaphore(%dma_start3A_207 : memref<!tpu.dma_semaphore, #tpu.memory_space<semaphore_mem>>)
        } else {
        }
      } else {
      }
      %mul3A_119 = arith.constant 8 : i32
      %mul3A_120 = arith.muli %scan3A_110, %mul3A_119 : i32
      %add3A_121 = arith.constant 1 : i32
      %add3A_122 = arith.addi %mul3A_120, %add3A_121 : i32
      %lt3A_123 = arith.cmpi slt, %add3A_122, %add3A_2 : i32
      %convert_element_type3A_124 = arith.extui %lt3A_123 : i1 to i32
      %cond3A_125 = arith.constant 0 : i32
      %cond3A_126 = arith.cmpi ne, %convert_element_type3A_124, %cond3A_125 : i32
      scf.if %cond3A_126 {
        %dma_wait3A = arith.constant 1 : i32
        %dma_wait3A_175 = arith.constant 1 : i32
        %dma_wait3A_176 = arith.constant 0 : i32
        %dma_wait3A_177 = arith.constant 0 : i32
        %dma_wait3A_178 = tpu.memref_slice %arg8[%dma_wait3A, %dma_wait3A_176, %dma_wait3A_177] : memref<8x128x16xf32, #tpu.memory_space<vmem>> -> memref<1x128x16xf32, #tpu.memory_space<vmem>>
        %dma_wait3A_179 = tpu.memref_squeeze %dma_wait3A_178 : memref<1x128x16xf32, #tpu.memory_space<vmem>> -> memref<128x16xf32, #tpu.memory_space<vmem>>
        %dma_wait3A_180 = arith.constant 0 : i32
        %dma_wait3A_181 = tpu.memref_slice %arg7[%add3A_122, %dma_wait3A_180] : memref<79x128xi32, #tpu.memory_space<vmem>> -> memref<1x128xi32, #tpu.memory_space<vmem>>
        %dma_wait3A_182 = tpu.memref_squeeze %dma_wait3A_181 : memref<1x128xi32, #tpu.memory_space<vmem>> -> memref<128xi32, #tpu.memory_space<vmem>>
        %dma_wait3A_183 = arith.constant 0 : i32
        %dma_wait3A_184 = arith.constant 0 : i32
        %dma_wait3A_185 = tpu.memref_slice %arg10[%dma_wait3A_183, %dma_wait3A_184] : memref<10000x16xf32, #tpu.memory_space<vmem_shared>> -> memref<10000x16xf32, #tpu.memory_space<vmem_shared>>
        %dma_wait3A_186 = tpu.memref_slice %arg11[%dma_wait3A_175] : memref<8x!tpu.dma_semaphore, #tpu.memory_space<semaphore_mem>> -> memref<1x!tpu.dma_semaphore, #tpu.memory_space<semaphore_mem>>
        %dma_wait3A_187 = tpu.memref_squeeze %dma_wait3A_186 : memref<1x!tpu.dma_semaphore, #tpu.memory_space<semaphore_mem>> -> memref<!tpu.dma_semaphore, #tpu.memory_space<semaphore_mem>>
        tpu.wait_indirect_dma semaphore(%dma_wait3A_187 : memref<!tpu.dma_semaphore, #tpu.memory_space<semaphore_mem>>) src(%dma_wait3A_185 : memref<10000x16xf32, #tpu.memory_space<vmem_shared>>) dst(%dma_wait3A_179 : memref<128x16xf32, #tpu.memory_space<vmem>>)
        %run_scoped3A_188 = arith.constant 1 : i32
        "tpu.region"() ({
          %run_scoped3A_195 = tpu.sem_alloc : memref<!tpu.dma_semaphore, #tpu.memory_space<semaphore_mem>>
          %dma_start3A = arith.constant 0 : i32
          %dma_start3A_196 = arith.constant 0 : i32
          %dma_start3A_197 = tpu.memref_slice %arg8[%run_scoped3A_188, %dma_start3A, %dma_start3A_196] : memref<8x128x16xf32, #tpu.memory_space<vmem>> -> memref<1x128x16xf32, #tpu.memory_space<vmem>>
          %dma_start3A_198 = tpu.memref_squeeze %dma_start3A_197 : memref<1x128x16xf32, #tpu.memory_space<vmem>> -> memref<128x16xf32, #tpu.memory_space<vmem>>
          %dma_start3A_199 = arith.constant 0 : i32
          %dma_start3A_200 = tpu.memref_slice %arg6[%add3A_122, %dma_start3A_199] : memref<79x128xi32, #tpu.memory_space<vmem>> -> memref<1x128xi32, #tpu.memory_space<vmem>>
          %dma_start3A_201 = tpu.memref_squeeze %dma_start3A_200 : memref<1x128xi32, #tpu.memory_space<vmem>> -> memref<128xi32, #tpu.memory_space<vmem>>
          %dma_start3A_202 = arith.constant 0 : i32
          %dma_start3A_203 = arith.constant 0 : i32
          %dma_start3A_204 = tpu.memref_slice %arg9[%dma_start3A_202, %dma_start3A_203] : memref<10112x16xf32, #tpu.memory_space<vmem_shared>> -> memref<10112x16xf32, #tpu.memory_space<vmem_shared>>
          tpu.enqueue_indirect_dma source(%dma_start3A_198 : memref<128x16xf32, #tpu.memory_space<vmem>>) target(%dma_start3A_204 : memref<10112x16xf32, #tpu.memory_space<vmem_shared>>) offsets(%dma_start3A_201 : memref<128xi32, #tpu.memory_space<vmem>>) semaphore(%run_scoped3A_195 : memref<!tpu.dma_semaphore, #tpu.memory_space<semaphore_mem>>) {add = true}
          %dma_wait3A_205 = arith.constant 0 : i32
          %dma_wait3A_206 = arith.constant 0 : i32
          %dma_wait3A_207 = tpu.memref_slice %arg8[%run_scoped3A_188, %dma_wait3A_205, %dma_wait3A_206] : memref<8x128x16xf32, #tpu.memory_space<vmem>> -> memref<1x128x16xf32, #tpu.memory_space<vmem>>
          %dma_wait3A_208 = tpu.memref_squeeze %dma_wait3A_207 : memref<1x128x16xf32, #tpu.memory_space<vmem>> -> memref<128x16xf32, #tpu.memory_space<vmem>>
          %dma_wait3A_209 = arith.constant 0 : i32
          %dma_wait3A_210 = tpu.memref_slice %arg6[%add3A_122, %dma_wait3A_209] : memref<79x128xi32, #tpu.memory_space<vmem>> -> memref<1x128xi32, #tpu.memory_space<vmem>>
          %dma_wait3A_211 = tpu.memref_squeeze %dma_wait3A_210 : memref<1x128xi32, #tpu.memory_space<vmem>> -> memref<128xi32, #tpu.memory_space<vmem>>
          %dma_wait3A_212 = arith.constant 0 : i32
          %dma_wait3A_213 = arith.constant 0 : i32
          %dma_wait3A_214 = tpu.memref_slice %arg9[%dma_wait3A_212, %dma_wait3A_213] : memref<10112x16xf32, #tpu.memory_space<vmem_shared>> -> memref<10112x16xf32, #tpu.memory_space<vmem_shared>>
          tpu.wait_indirect_dma semaphore(%run_scoped3A_195 : memref<!tpu.dma_semaphore, #tpu.memory_space<semaphore_mem>>) src(%dma_wait3A_208 : memref<128x16xf32, #tpu.memory_space<vmem>>) dst(%dma_wait3A_214 : memref<10112x16xf32, #tpu.memory_space<vmem_shared>>)
          tpu.yield
        }) : () -> ()
        %add3A_189 = arith.constant 8 : i32
        %add3A_190 = arith.addi %add3A_122, %add3A_189 : i32
        %lt3A_191 = arith.cmpi slt, %add3A_190, %add3A_2 : i32
        %convert_element_type3A_192 = arith.extui %lt3A_191 : i1 to i32
        %cond3A_193 = arith.constant 0 : i32
        %cond3A_194 = arith.cmpi ne, %convert_element_type3A_192, %cond3A_193 : i32
        scf.if %cond3A_194 {
          %dma_start3A = arith.constant 1 : i32
          %dma_start3A_195 = arith.constant 1 : i32
          %dma_start3A_196 = arith.constant 0 : i32
          %dma_start3A_197 = arith.constant 0 : i32
          %dma_start3A_198 = tpu.memref_slice %arg8[%dma_start3A, %dma_start3A_196, %dma_start3A_197] : memref<8x128x16xf32, #tpu.memory_space<vmem>> -> memref<1x128x16xf32, #tpu.memory_space<vmem>>
          %dma_start3A_199 = tpu.memref_squeeze %dma_start3A_198 : memref<1x128x16xf32, #tpu.memory_space<vmem>> -> memref<128x16xf32, #tpu.memory_space<vmem>>
          %dma_start3A_200 = arith.constant 0 : i32
          %dma_start3A_201 = tpu.memref_slice %arg7[%add3A_190, %dma_start3A_200] : memref<79x128xi32, #tpu.memory_space<vmem>> -> memref<1x128xi32, #tpu.memory_space<vmem>>
          %dma_start3A_202 = tpu.memref_squeeze %dma_start3A_201 : memref<1x128xi32, #tpu.memory_space<vmem>> -> memref<128xi32, #tpu.memory_space<vmem>>
          %dma_start3A_203 = arith.constant 0 : i32
          %dma_start3A_204 = arith.constant 0 : i32
          %dma_start3A_205 = tpu.memref_slice %arg10[%dma_start3A_203, %dma_start3A_204] : memref<10000x16xf32, #tpu.memory_space<vmem_shared>> -> memref<10000x16xf32, #tpu.memory_space<vmem_shared>>
          %dma_start3A_206 = tpu.memref_slice %arg11[%dma_start3A_195] : memref<8x!tpu.dma_semaphore, #tpu.memory_space<semaphore_mem>> -> memref<1x!tpu.dma_semaphore, #tpu.memory_space<semaphore_mem>>
          %dma_start3A_207 = tpu.memref_squeeze %dma_start3A_206 : memref<1x!tpu.dma_semaphore, #tpu.memory_space<semaphore_mem>> -> memref<!tpu.dma_semaphore, #tpu.memory_space<semaphore_mem>>
          tpu.enqueue_indirect_dma source(%dma_start3A_205 : memref<10000x16xf32, #tpu.memory_space<vmem_shared>>) target(%dma_start3A_199 : memref<128x16xf32, #tpu.memory_space<vmem>>) offsets(%dma_start3A_202 : memref<128xi32, #tpu.memory_space<vmem>>) semaphore(%dma_start3A_207 : memref<!tpu.dma_semaphore, #tpu.memory_space<semaphore_mem>>)
        } else {
        }
      } else {
      }
      %mul3A_127 = arith.constant 8 : i32
      %mul3A_128 = arith.muli %scan3A_110, %mul3A_127 : i32
      %add3A_129 = arith.constant 2 : i32
      %add3A_130 = arith.addi %mul3A_128, %add3A_129 : i32
      %lt3A_131 = arith.cmpi slt, %add3A_130, %add3A_2 : i32
      %convert_element_type3A_132 = arith.extui %lt3A_131 : i1 to i32
      %cond3A_133 = arith.constant 0 : i32
      %cond3A_134 = arith.cmpi ne, %convert_element_type3A_132, %cond3A_133 : i32
      scf.if %cond3A_134 {
        %dma_wait3A = arith.constant 2 : i32
        %dma_wait3A_175 = arith.constant 2 : i32
        %dma_wait3A_176 = arith.constant 0 : i32
        %dma_wait3A_177 = arith.constant 0 : i32
        %dma_wait3A_178 = tpu.memref_slice %arg8[%dma_wait3A, %dma_wait3A_176, %dma_wait3A_177] : memref<8x128x16xf32, #tpu.memory_space<vmem>> -> memref<1x128x16xf32, #tpu.memory_space<vmem>>
        %dma_wait3A_179 = tpu.memref_squeeze %dma_wait3A_178 : memref<1x128x16xf32, #tpu.memory_space<vmem>> -> memref<128x16xf32, #tpu.memory_space<vmem>>
        %dma_wait3A_180 = arith.constant 0 : i32
        %dma_wait3A_181 = tpu.memref_slice %arg7[%add3A_130, %dma_wait3A_180] : memref<79x128xi32, #tpu.memory_space<vmem>> -> memref<1x128xi32, #tpu.memory_space<vmem>>
        %dma_wait3A_182 = tpu.memref_squeeze %dma_wait3A_181 : memref<1x128xi32, #tpu.memory_space<vmem>> -> memref<128xi32, #tpu.memory_space<vmem>>
        %dma_wait3A_183 = arith.constant 0 : i32
        %dma_wait3A_184 = arith.constant 0 : i32
        %dma_wait3A_185 = tpu.memref_slice %arg10[%dma_wait3A_183, %dma_wait3A_184] : memref<10000x16xf32, #tpu.memory_space<vmem_shared>> -> memref<10000x16xf32, #tpu.memory_space<vmem_shared>>
        %dma_wait3A_186 = tpu.memref_slice %arg11[%dma_wait3A_175] : memref<8x!tpu.dma_semaphore, #tpu.memory_space<semaphore_mem>> -> memref<1x!tpu.dma_semaphore, #tpu.memory_space<semaphore_mem>>
        %dma_wait3A_187 = tpu.memref_squeeze %dma_wait3A_186 : memref<1x!tpu.dma_semaphore, #tpu.memory_space<semaphore_mem>> -> memref<!tpu.dma_semaphore, #tpu.memory_space<semaphore_mem>>
        tpu.wait_indirect_dma semaphore(%dma_wait3A_187 : memref<!tpu.dma_semaphore, #tpu.memory_space<semaphore_mem>>) src(%dma_wait3A_185 : memref<10000x16xf32, #tpu.memory_space<vmem_shared>>) dst(%dma_wait3A_179 : memref<128x16xf32, #tpu.memory_space<vmem>>)
        %run_scoped3A_188 = arith.constant 2 : i32
        "tpu.region"() ({
          %run_scoped3A_195 = tpu.sem_alloc : memref<!tpu.dma_semaphore, #tpu.memory_space<semaphore_mem>>
          %dma_start3A = arith.constant 0 : i32
          %dma_start3A_196 = arith.constant 0 : i32
          %dma_start3A_197 = tpu.memref_slice %arg8[%run_scoped3A_188, %dma_start3A, %dma_start3A_196] : memref<8x128x16xf32, #tpu.memory_space<vmem>> -> memref<1x128x16xf32, #tpu.memory_space<vmem>>
          %dma_start3A_198 = tpu.memref_squeeze %dma_start3A_197 : memref<1x128x16xf32, #tpu.memory_space<vmem>> -> memref<128x16xf32, #tpu.memory_space<vmem>>
          %dma_start3A_199 = arith.constant 0 : i32
          %dma_start3A_200 = tpu.memref_slice %arg6[%add3A_130, %dma_start3A_199] : memref<79x128xi32, #tpu.memory_space<vmem>> -> memref<1x128xi32, #tpu.memory_space<vmem>>
          %dma_start3A_201 = tpu.memref_squeeze %dma_start3A_200 : memref<1x128xi32, #tpu.memory_space<vmem>> -> memref<128xi32, #tpu.memory_space<vmem>>
          %dma_start3A_202 = arith.constant 0 : i32
          %dma_start3A_203 = arith.constant 0 : i32
          %dma_start3A_204 = tpu.memref_slice %arg9[%dma_start3A_202, %dma_start3A_203] : memref<10112x16xf32, #tpu.memory_space<vmem_shared>> -> memref<10112x16xf32, #tpu.memory_space<vmem_shared>>
          tpu.enqueue_indirect_dma source(%dma_start3A_198 : memref<128x16xf32, #tpu.memory_space<vmem>>) target(%dma_start3A_204 : memref<10112x16xf32, #tpu.memory_space<vmem_shared>>) offsets(%dma_start3A_201 : memref<128xi32, #tpu.memory_space<vmem>>) semaphore(%run_scoped3A_195 : memref<!tpu.dma_semaphore, #tpu.memory_space<semaphore_mem>>) {add = true}
          %dma_wait3A_205 = arith.constant 0 : i32
          %dma_wait3A_206 = arith.constant 0 : i32
          %dma_wait3A_207 = tpu.memref_slice %arg8[%run_scoped3A_188, %dma_wait3A_205, %dma_wait3A_206] : memref<8x128x16xf32, #tpu.memory_space<vmem>> -> memref<1x128x16xf32, #tpu.memory_space<vmem>>
          %dma_wait3A_208 = tpu.memref_squeeze %dma_wait3A_207 : memref<1x128x16xf32, #tpu.memory_space<vmem>> -> memref<128x16xf32, #tpu.memory_space<vmem>>
          %dma_wait3A_209 = arith.constant 0 : i32
          %dma_wait3A_210 = tpu.memref_slice %arg6[%add3A_130, %dma_wait3A_209] : memref<79x128xi32, #tpu.memory_space<vmem>> -> memref<1x128xi32, #tpu.memory_space<vmem>>
          %dma_wait3A_211 = tpu.memref_squeeze %dma_wait3A_210 : memref<1x128xi32, #tpu.memory_space<vmem>> -> memref<128xi32, #tpu.memory_space<vmem>>
          %dma_wait3A_212 = arith.constant 0 : i32
          %dma_wait3A_213 = arith.constant 0 : i32
          %dma_wait3A_214 = tpu.memref_slice %arg9[%dma_wait3A_212, %dma_wait3A_213] : memref<10112x16xf32, #tpu.memory_space<vmem_shared>> -> memref<10112x16xf32, #tpu.memory_space<vmem_shared>>
          tpu.wait_indirect_dma semaphore(%run_scoped3A_195 : memref<!tpu.dma_semaphore, #tpu.memory_space<semaphore_mem>>) src(%dma_wait3A_208 : memref<128x16xf32, #tpu.memory_space<vmem>>) dst(%dma_wait3A_214 : memref<10112x16xf32, #tpu.memory_space<vmem_shared>>)
          tpu.yield
        }) : () -> ()
        %add3A_189 = arith.constant 8 : i32
        %add3A_190 = arith.addi %add3A_130, %add3A_189 : i32
        %lt3A_191 = arith.cmpi slt, %add3A_190, %add3A_2 : i32
        %convert_element_type3A_192 = arith.extui %lt3A_191 : i1 to i32
        %cond3A_193 = arith.constant 0 : i32
        %cond3A_194 = arith.cmpi ne, %convert_element_type3A_192, %cond3A_193 : i32
        scf.if %cond3A_194 {
          %dma_start3A = arith.constant 2 : i32
          %dma_start3A_195 = arith.constant 2 : i32
          %dma_start3A_196 = arith.constant 0 : i32
          %dma_start3A_197 = arith.constant 0 : i32
          %dma_start3A_198 = tpu.memref_slice %arg8[%dma_start3A, %dma_start3A_196, %dma_start3A_197] : memref<8x128x16xf32, #tpu.memory_space<vmem>> -> memref<1x128x16xf32, #tpu.memory_space<vmem>>
          %dma_start3A_199 = tpu.memref_squeeze %dma_start3A_198 : memref<1x128x16xf32, #tpu.memory_space<vmem>> -> memref<128x16xf32, #tpu.memory_space<vmem>>
          %dma_start3A_200 = arith.constant 0 : i32
          %dma_start3A_201 = tpu.memref_slice %arg7[%add3A_190, %dma_start3A_200] : memref<79x128xi32, #tpu.memory_space<vmem>> -> memref<1x128xi32, #tpu.memory_space<vmem>>
          %dma_start3A_202 = tpu.memref_squeeze %dma_start3A_201 : memref<1x128xi32, #tpu.memory_space<vmem>> -> memref<128xi32, #tpu.memory_space<vmem>>
          %dma_start3A_203 = arith.constant 0 : i32
          %dma_start3A_204 = arith.constant 0 : i32
          %dma_start3A_205 = tpu.memref_slice %arg10[%dma_start3A_203, %dma_start3A_204] : memref<10000x16xf32, #tpu.memory_space<vmem_shared>> -> memref<10000x16xf32, #tpu.memory_space<vmem_shared>>
          %dma_start3A_206 = tpu.memref_slice %arg11[%dma_start3A_195] : memref<8x!tpu.dma_semaphore, #tpu.memory_space<semaphore_mem>> -> memref<1x!tpu.dma_semaphore, #tpu.memory_space<semaphore_mem>>
          %dma_start3A_207 = tpu.memref_squeeze %dma_start3A_206 : memref<1x!tpu.dma_semaphore, #tpu.memory_space<semaphore_mem>> -> memref<!tpu.dma_semaphore, #tpu.memory_space<semaphore_mem>>
          tpu.enqueue_indirect_dma source(%dma_start3A_205 : memref<10000x16xf32, #tpu.memory_space<vmem_shared>>) target(%dma_start3A_199 : memref<128x16xf32, #tpu.memory_space<vmem>>) offsets(%dma_start3A_202 : memref<128xi32, #tpu.memory_space<vmem>>) semaphore(%dma_start3A_207 : memref<!tpu.dma_semaphore, #tpu.memory_space<semaphore_mem>>)
        } else {
        }
      } else {
      }
      %mul3A_135 = arith.constant 8 : i32
      %mul3A_136 = arith.muli %scan3A_110, %mul3A_135 : i32
      %add3A_137 = arith.constant 3 : i32
      %add3A_138 = arith.addi %mul3A_136, %add3A_137 : i32
      %lt3A_139 = arith.cmpi slt, %add3A_138, %add3A_2 : i32
      %convert_element_type3A_140 = arith.extui %lt3A_139 : i1 to i32
      %cond3A_141 = arith.constant 0 : i32
      %cond3A_142 = arith.cmpi ne, %convert_element_type3A_140, %cond3A_141 : i32
      scf.if %cond3A_142 {
        %dma_wait3A = arith.constant 3 : i32
        %dma_wait3A_175 = arith.constant 3 : i32
        %dma_wait3A_176 = arith.constant 0 : i32
        %dma_wait3A_177 = arith.constant 0 : i32
        %dma_wait3A_178 = tpu.memref_slice %arg8[%dma_wait3A, %dma_wait3A_176, %dma_wait3A_177] : memref<8x128x16xf32, #tpu.memory_space<vmem>> -> memref<1x128x16xf32, #tpu.memory_space<vmem>>
        %dma_wait3A_179 = tpu.memref_squeeze %dma_wait3A_178 : memref<1x128x16xf32, #tpu.memory_space<vmem>> -> memref<128x16xf32, #tpu.memory_space<vmem>>
        %dma_wait3A_180 = arith.constant 0 : i32
        %dma_wait3A_181 = tpu.memref_slice %arg7[%add3A_138, %dma_wait3A_180] : memref<79x128xi32, #tpu.memory_space<vmem>> -> memref<1x128xi32, #tpu.memory_space<vmem>>
        %dma_wait3A_182 = tpu.memref_squeeze %dma_wait3A_181 : memref<1x128xi32, #tpu.memory_space<vmem>> -> memref<128xi32, #tpu.memory_space<vmem>>
        %dma_wait3A_183 = arith.constant 0 : i32
        %dma_wait3A_184 = arith.constant 0 : i32
        %dma_wait3A_185 = tpu.memref_slice %arg10[%dma_wait3A_183, %dma_wait3A_184] : memref<10000x16xf32, #tpu.memory_space<vmem_shared>> -> memref<10000x16xf32, #tpu.memory_space<vmem_shared>>
        %dma_wait3A_186 = tpu.memref_slice %arg11[%dma_wait3A_175] : memref<8x!tpu.dma_semaphore, #tpu.memory_space<semaphore_mem>> -> memref<1x!tpu.dma_semaphore, #tpu.memory_space<semaphore_mem>>
        %dma_wait3A_187 = tpu.memref_squeeze %dma_wait3A_186 : memref<1x!tpu.dma_semaphore, #tpu.memory_space<semaphore_mem>> -> memref<!tpu.dma_semaphore, #tpu.memory_space<semaphore_mem>>
        tpu.wait_indirect_dma semaphore(%dma_wait3A_187 : memref<!tpu.dma_semaphore, #tpu.memory_space<semaphore_mem>>) src(%dma_wait3A_185 : memref<10000x16xf32, #tpu.memory_space<vmem_shared>>) dst(%dma_wait3A_179 : memref<128x16xf32, #tpu.memory_space<vmem>>)
        %run_scoped3A_188 = arith.constant 3 : i32
        "tpu.region"() ({
          %run_scoped3A_195 = tpu.sem_alloc : memref<!tpu.dma_semaphore, #tpu.memory_space<semaphore_mem>>
          %dma_start3A = arith.constant 0 : i32
          %dma_start3A_196 = arith.constant 0 : i32
          %dma_start3A_197 = tpu.memref_slice %arg8[%run_scoped3A_188, %dma_start3A, %dma_start3A_196] : memref<8x128x16xf32, #tpu.memory_space<vmem>> -> memref<1x128x16xf32, #tpu.memory_space<vmem>>
          %dma_start3A_198 = tpu.memref_squeeze %dma_start3A_197 : memref<1x128x16xf32, #tpu.memory_space<vmem>> -> memref<128x16xf32, #tpu.memory_space<vmem>>
          %dma_start3A_199 = arith.constant 0 : i32
          %dma_start3A_200 = tpu.memref_slice %arg6[%add3A_138, %dma_start3A_199] : memref<79x128xi32, #tpu.memory_space<vmem>> -> memref<1x128xi32, #tpu.memory_space<vmem>>
          %dma_start3A_201 = tpu.memref_squeeze %dma_start3A_200 : memref<1x128xi32, #tpu.memory_space<vmem>> -> memref<128xi32, #tpu.memory_space<vmem>>
          %dma_start3A_202 = arith.constant 0 : i32
          %dma_start3A_203 = arith.constant 0 : i32
          %dma_start3A_204 = tpu.memref_slice %arg9[%dma_start3A_202, %dma_start3A_203] : memref<10112x16xf32, #tpu.memory_space<vmem_shared>> -> memref<10112x16xf32, #tpu.memory_space<vmem_shared>>
          tpu.enqueue_indirect_dma source(%dma_start3A_198 : memref<128x16xf32, #tpu.memory_space<vmem>>) target(%dma_start3A_204 : memref<10112x16xf32, #tpu.memory_space<vmem_shared>>) offsets(%dma_start3A_201 : memref<128xi32, #tpu.memory_space<vmem>>) semaphore(%run_scoped3A_195 : memref<!tpu.dma_semaphore, #tpu.memory_space<semaphore_mem>>) {add = true}
          %dma_wait3A_205 = arith.constant 0 : i32
          %dma_wait3A_206 = arith.constant 0 : i32
          %dma_wait3A_207 = tpu.memref_slice %arg8[%run_scoped3A_188, %dma_wait3A_205, %dma_wait3A_206] : memref<8x128x16xf32, #tpu.memory_space<vmem>> -> memref<1x128x16xf32, #tpu.memory_space<vmem>>
          %dma_wait3A_208 = tpu.memref_squeeze %dma_wait3A_207 : memref<1x128x16xf32, #tpu.memory_space<vmem>> -> memref<128x16xf32, #tpu.memory_space<vmem>>
          %dma_wait3A_209 = arith.constant 0 : i32
          %dma_wait3A_210 = tpu.memref_slice %arg6[%add3A_138, %dma_wait3A_209] : memref<79x128xi32, #tpu.memory_space<vmem>> -> memref<1x128xi32, #tpu.memory_space<vmem>>
          %dma_wait3A_211 = tpu.memref_squeeze %dma_wait3A_210 : memref<1x128xi32, #tpu.memory_space<vmem>> -> memref<128xi32, #tpu.memory_space<vmem>>
          %dma_wait3A_212 = arith.constant 0 : i32
          %dma_wait3A_213 = arith.constant 0 : i32
          %dma_wait3A_214 = tpu.memref_slice %arg9[%dma_wait3A_212, %dma_wait3A_213] : memref<10112x16xf32, #tpu.memory_space<vmem_shared>> -> memref<10112x16xf32, #tpu.memory_space<vmem_shared>>
          tpu.wait_indirect_dma semaphore(%run_scoped3A_195 : memref<!tpu.dma_semaphore, #tpu.memory_space<semaphore_mem>>) src(%dma_wait3A_208 : memref<128x16xf32, #tpu.memory_space<vmem>>) dst(%dma_wait3A_214 : memref<10112x16xf32, #tpu.memory_space<vmem_shared>>)
          tpu.yield
        }) : () -> ()
        %add3A_189 = arith.constant 8 : i32
        %add3A_190 = arith.addi %add3A_138, %add3A_189 : i32
        %lt3A_191 = arith.cmpi slt, %add3A_190, %add3A_2 : i32
        %convert_element_type3A_192 = arith.extui %lt3A_191 : i1 to i32
        %cond3A_193 = arith.constant 0 : i32
        %cond3A_194 = arith.cmpi ne, %convert_element_type3A_192, %cond3A_193 : i32
        scf.if %cond3A_194 {
          %dma_start3A = arith.constant 3 : i32
          %dma_start3A_195 = arith.constant 3 : i32
          %dma_start3A_196 = arith.constant 0 : i32
          %dma_start3A_197 = arith.constant 0 : i32
          %dma_start3A_198 = tpu.memref_slice %arg8[%dma_start3A, %dma_start3A_196, %dma_start3A_197] : memref<8x128x16xf32, #tpu.memory_space<vmem>> -> memref<1x128x16xf32, #tpu.memory_space<vmem>>
          %dma_start3A_199 = tpu.memref_squeeze %dma_start3A_198 : memref<1x128x16xf32, #tpu.memory_space<vmem>> -> memref<128x16xf32, #tpu.memory_space<vmem>>
          %dma_start3A_200 = arith.constant 0 : i32
          %dma_start3A_201 = tpu.memref_slice %arg7[%add3A_190, %dma_start3A_200] : memref<79x128xi32, #tpu.memory_space<vmem>> -> memref<1x128xi32, #tpu.memory_space<vmem>>
          %dma_start3A_202 = tpu.memref_squeeze %dma_start3A_201 : memref<1x128xi32, #tpu.memory_space<vmem>> -> memref<128xi32, #tpu.memory_space<vmem>>
          %dma_start3A_203 = arith.constant 0 : i32
          %dma_start3A_204 = arith.constant 0 : i32
          %dma_start3A_205 = tpu.memref_slice %arg10[%dma_start3A_203, %dma_start3A_204] : memref<10000x16xf32, #tpu.memory_space<vmem_shared>> -> memref<10000x16xf32, #tpu.memory_space<vmem_shared>>
          %dma_start3A_206 = tpu.memref_slice %arg11[%dma_start3A_195] : memref<8x!tpu.dma_semaphore, #tpu.memory_space<semaphore_mem>> -> memref<1x!tpu.dma_semaphore, #tpu.memory_space<semaphore_mem>>
          %dma_start3A_207 = tpu.memref_squeeze %dma_start3A_206 : memref<1x!tpu.dma_semaphore, #tpu.memory_space<semaphore_mem>> -> memref<!tpu.dma_semaphore, #tpu.memory_space<semaphore_mem>>
          tpu.enqueue_indirect_dma source(%dma_start3A_205 : memref<10000x16xf32, #tpu.memory_space<vmem_shared>>) target(%dma_start3A_199 : memref<128x16xf32, #tpu.memory_space<vmem>>) offsets(%dma_start3A_202 : memref<128xi32, #tpu.memory_space<vmem>>) semaphore(%dma_start3A_207 : memref<!tpu.dma_semaphore, #tpu.memory_space<semaphore_mem>>)
        } else {
        }
      } else {
      }
      %mul3A_143 = arith.constant 8 : i32
      %mul3A_144 = arith.muli %scan3A_110, %mul3A_143 : i32
      %add3A_145 = arith.constant 4 : i32
      %add3A_146 = arith.addi %mul3A_144, %add3A_145 : i32
      %lt3A_147 = arith.cmpi slt, %add3A_146, %add3A_2 : i32
      %convert_element_type3A_148 = arith.extui %lt3A_147 : i1 to i32
      %cond3A_149 = arith.constant 0 : i32
      %cond3A_150 = arith.cmpi ne, %convert_element_type3A_148, %cond3A_149 : i32
      scf.if %cond3A_150 {
        %dma_wait3A = arith.constant 4 : i32
        %dma_wait3A_175 = arith.constant 4 : i32
        %dma_wait3A_176 = arith.constant 0 : i32
        %dma_wait3A_177 = arith.constant 0 : i32
        %dma_wait3A_178 = tpu.memref_slice %arg8[%dma_wait3A, %dma_wait3A_176, %dma_wait3A_177] : memref<8x128x16xf32, #tpu.memory_space<vmem>> -> memref<1x128x16xf32, #tpu.memory_space<vmem>>
        %dma_wait3A_179 = tpu.memref_squeeze %dma_wait3A_178 : memref<1x128x16xf32, #tpu.memory_space<vmem>> -> memref<128x16xf32, #tpu.memory_space<vmem>>
        %dma_wait3A_180 = arith.constant 0 : i32
        %dma_wait3A_181 = tpu.memref_slice %arg7[%add3A_146, %dma_wait3A_180] : memref<79x128xi32, #tpu.memory_space<vmem>> -> memref<1x128xi32, #tpu.memory_space<vmem>>
        %dma_wait3A_182 = tpu.memref_squeeze %dma_wait3A_181 : memref<1x128xi32, #tpu.memory_space<vmem>> -> memref<128xi32, #tpu.memory_space<vmem>>
        %dma_wait3A_183 = arith.constant 0 : i32
        %dma_wait3A_184 = arith.constant 0 : i32
        %dma_wait3A_185 = tpu.memref_slice %arg10[%dma_wait3A_183, %dma_wait3A_184] : memref<10000x16xf32, #tpu.memory_space<vmem_shared>> -> memref<10000x16xf32, #tpu.memory_space<vmem_shared>>
        %dma_wait3A_186 = tpu.memref_slice %arg11[%dma_wait3A_175] : memref<8x!tpu.dma_semaphore, #tpu.memory_space<semaphore_mem>> -> memref<1x!tpu.dma_semaphore, #tpu.memory_space<semaphore_mem>>
        %dma_wait3A_187 = tpu.memref_squeeze %dma_wait3A_186 : memref<1x!tpu.dma_semaphore, #tpu.memory_space<semaphore_mem>> -> memref<!tpu.dma_semaphore, #tpu.memory_space<semaphore_mem>>
        tpu.wait_indirect_dma semaphore(%dma_wait3A_187 : memref<!tpu.dma_semaphore, #tpu.memory_space<semaphore_mem>>) src(%dma_wait3A_185 : memref<10000x16xf32, #tpu.memory_space<vmem_shared>>) dst(%dma_wait3A_179 : memref<128x16xf32, #tpu.memory_space<vmem>>)
        %run_scoped3A_188 = arith.constant 4 : i32
        "tpu.region"() ({
          %run_scoped3A_195 = tpu.sem_alloc : memref<!tpu.dma_semaphore, #tpu.memory_space<semaphore_mem>>
          %dma_start3A = arith.constant 0 : i32
          %dma_start3A_196 = arith.constant 0 : i32
          %dma_start3A_197 = tpu.memref_slice %arg8[%run_scoped3A_188, %dma_start3A, %dma_start3A_196] : memref<8x128x16xf32, #tpu.memory_space<vmem>> -> memref<1x128x16xf32, #tpu.memory_space<vmem>>
          %dma_start3A_198 = tpu.memref_squeeze %dma_start3A_197 : memref<1x128x16xf32, #tpu.memory_space<vmem>> -> memref<128x16xf32, #tpu.memory_space<vmem>>
          %dma_start3A_199 = arith.constant 0 : i32
          %dma_start3A_200 = tpu.memref_slice %arg6[%add3A_146, %dma_start3A_199] : memref<79x128xi32, #tpu.memory_space<vmem>> -> memref<1x128xi32, #tpu.memory_space<vmem>>
          %dma_start3A_201 = tpu.memref_squeeze %dma_start3A_200 : memref<1x128xi32, #tpu.memory_space<vmem>> -> memref<128xi32, #tpu.memory_space<vmem>>
          %dma_start3A_202 = arith.constant 0 : i32
          %dma_start3A_203 = arith.constant 0 : i32
          %dma_start3A_204 = tpu.memref_slice %arg9[%dma_start3A_202, %dma_start3A_203] : memref<10112x16xf32, #tpu.memory_space<vmem_shared>> -> memref<10112x16xf32, #tpu.memory_space<vmem_shared>>
          tpu.enqueue_indirect_dma source(%dma_start3A_198 : memref<128x16xf32, #tpu.memory_space<vmem>>) target(%dma_start3A_204 : memref<10112x16xf32, #tpu.memory_space<vmem_shared>>) offsets(%dma_start3A_201 : memref<128xi32, #tpu.memory_space<vmem>>) semaphore(%run_scoped3A_195 : memref<!tpu.dma_semaphore, #tpu.memory_space<semaphore_mem>>) {add = true}
          %dma_wait3A_205 = arith.constant 0 : i32
          %dma_wait3A_206 = arith.constant 0 : i32
          %dma_wait3A_207 = tpu.memref_slice %arg8[%run_scoped3A_188, %dma_wait3A_205, %dma_wait3A_206] : memref<8x128x16xf32, #tpu.memory_space<vmem>> -> memref<1x128x16xf32, #tpu.memory_space<vmem>>
          %dma_wait3A_208 = tpu.memref_squeeze %dma_wait3A_207 : memref<1x128x16xf32, #tpu.memory_space<vmem>> -> memref<128x16xf32, #tpu.memory_space<vmem>>
          %dma_wait3A_209 = arith.constant 0 : i32
          %dma_wait3A_210 = tpu.memref_slice %arg6[%add3A_146, %dma_wait3A_209] : memref<79x128xi32, #tpu.memory_space<vmem>> -> memref<1x128xi32, #tpu.memory_space<vmem>>
          %dma_wait3A_211 = tpu.memref_squeeze %dma_wait3A_210 : memref<1x128xi32, #tpu.memory_space<vmem>> -> memref<128xi32, #tpu.memory_space<vmem>>
          %dma_wait3A_212 = arith.constant 0 : i32
          %dma_wait3A_213 = arith.constant 0 : i32
          %dma_wait3A_214 = tpu.memref_slice %arg9[%dma_wait3A_212, %dma_wait3A_213] : memref<10112x16xf32, #tpu.memory_space<vmem_shared>> -> memref<10112x16xf32, #tpu.memory_space<vmem_shared>>
          tpu.wait_indirect_dma semaphore(%run_scoped3A_195 : memref<!tpu.dma_semaphore, #tpu.memory_space<semaphore_mem>>) src(%dma_wait3A_208 : memref<128x16xf32, #tpu.memory_space<vmem>>) dst(%dma_wait3A_214 : memref<10112x16xf32, #tpu.memory_space<vmem_shared>>)
          tpu.yield
        }) : () -> ()
        %add3A_189 = arith.constant 8 : i32
        %add3A_190 = arith.addi %add3A_146, %add3A_189 : i32
        %lt3A_191 = arith.cmpi slt, %add3A_190, %add3A_2 : i32
        %convert_element_type3A_192 = arith.extui %lt3A_191 : i1 to i32
        %cond3A_193 = arith.constant 0 : i32
        %cond3A_194 = arith.cmpi ne, %convert_element_type3A_192, %cond3A_193 : i32
        scf.if %cond3A_194 {
          %dma_start3A = arith.constant 4 : i32
          %dma_start3A_195 = arith.constant 4 : i32
          %dma_start3A_196 = arith.constant 0 : i32
          %dma_start3A_197 = arith.constant 0 : i32
          %dma_start3A_198 = tpu.memref_slice %arg8[%dma_start3A, %dma_start3A_196, %dma_start3A_197] : memref<8x128x16xf32, #tpu.memory_space<vmem>> -> memref<1x128x16xf32, #tpu.memory_space<vmem>>
          %dma_start3A_199 = tpu.memref_squeeze %dma_start3A_198 : memref<1x128x16xf32, #tpu.memory_space<vmem>> -> memref<128x16xf32, #tpu.memory_space<vmem>>
          %dma_start3A_200 = arith.constant 0 : i32
          %dma_start3A_201 = tpu.memref_slice %arg7[%add3A_190, %dma_start3A_200] : memref<79x128xi32, #tpu.memory_space<vmem>> -> memref<1x128xi32, #tpu.memory_space<vmem>>
          %dma_start3A_202 = tpu.memref_squeeze %dma_start3A_201 : memref<1x128xi32, #tpu.memory_space<vmem>> -> memref<128xi32, #tpu.memory_space<vmem>>
          %dma_start3A_203 = arith.constant 0 : i32
          %dma_start3A_204 = arith.constant 0 : i32
          %dma_start3A_205 = tpu.memref_slice %arg10[%dma_start3A_203, %dma_start3A_204] : memref<10000x16xf32, #tpu.memory_space<vmem_shared>> -> memref<10000x16xf32, #tpu.memory_space<vmem_shared>>
          %dma_start3A_206 = tpu.memref_slice %arg11[%dma_start3A_195] : memref<8x!tpu.dma_semaphore, #tpu.memory_space<semaphore_mem>> -> memref<1x!tpu.dma_semaphore, #tpu.memory_space<semaphore_mem>>
          %dma_start3A_207 = tpu.memref_squeeze %dma_start3A_206 : memref<1x!tpu.dma_semaphore, #tpu.memory_space<semaphore_mem>> -> memref<!tpu.dma_semaphore, #tpu.memory_space<semaphore_mem>>
          tpu.enqueue_indirect_dma source(%dma_start3A_205 : memref<10000x16xf32, #tpu.memory_space<vmem_shared>>) target(%dma_start3A_199 : memref<128x16xf32, #tpu.memory_space<vmem>>) offsets(%dma_start3A_202 : memref<128xi32, #tpu.memory_space<vmem>>) semaphore(%dma_start3A_207 : memref<!tpu.dma_semaphore, #tpu.memory_space<semaphore_mem>>)
        } else {
        }
      } else {
      }
      %mul3A_151 = arith.constant 8 : i32
      %mul3A_152 = arith.muli %scan3A_110, %mul3A_151 : i32
      %add3A_153 = arith.constant 5 : i32
      %add3A_154 = arith.addi %mul3A_152, %add3A_153 : i32
      %lt3A_155 = arith.cmpi slt, %add3A_154, %add3A_2 : i32
      %convert_element_type3A_156 = arith.extui %lt3A_155 : i1 to i32
      %cond3A_157 = arith.constant 0 : i32
      %cond3A_158 = arith.cmpi ne, %convert_element_type3A_156, %cond3A_157 : i32
      scf.if %cond3A_158 {
        %dma_wait3A = arith.constant 5 : i32
        %dma_wait3A_175 = arith.constant 5 : i32
        %dma_wait3A_176 = arith.constant 0 : i32
        %dma_wait3A_177 = arith.constant 0 : i32
        %dma_wait3A_178 = tpu.memref_slice %arg8[%dma_wait3A, %dma_wait3A_176, %dma_wait3A_177] : memref<8x128x16xf32, #tpu.memory_space<vmem>> -> memref<1x128x16xf32, #tpu.memory_space<vmem>>
        %dma_wait3A_179 = tpu.memref_squeeze %dma_wait3A_178 : memref<1x128x16xf32, #tpu.memory_space<vmem>> -> memref<128x16xf32, #tpu.memory_space<vmem>>
        %dma_wait3A_180 = arith.constant 0 : i32
        %dma_wait3A_181 = tpu.memref_slice %arg7[%add3A_154, %dma_wait3A_180] : memref<79x128xi32, #tpu.memory_space<vmem>> -> memref<1x128xi32, #tpu.memory_space<vmem>>
        %dma_wait3A_182 = tpu.memref_squeeze %dma_wait3A_181 : memref<1x128xi32, #tpu.memory_space<vmem>> -> memref<128xi32, #tpu.memory_space<vmem>>
        %dma_wait3A_183 = arith.constant 0 : i32
        %dma_wait3A_184 = arith.constant 0 : i32
        %dma_wait3A_185 = tpu.memref_slice %arg10[%dma_wait3A_183, %dma_wait3A_184] : memref<10000x16xf32, #tpu.memory_space<vmem_shared>> -> memref<10000x16xf32, #tpu.memory_space<vmem_shared>>
        %dma_wait3A_186 = tpu.memref_slice %arg11[%dma_wait3A_175] : memref<8x!tpu.dma_semaphore, #tpu.memory_space<semaphore_mem>> -> memref<1x!tpu.dma_semaphore, #tpu.memory_space<semaphore_mem>>
        %dma_wait3A_187 = tpu.memref_squeeze %dma_wait3A_186 : memref<1x!tpu.dma_semaphore, #tpu.memory_space<semaphore_mem>> -> memref<!tpu.dma_semaphore, #tpu.memory_space<semaphore_mem>>
        tpu.wait_indirect_dma semaphore(%dma_wait3A_187 : memref<!tpu.dma_semaphore, #tpu.memory_space<semaphore_mem>>) src(%dma_wait3A_185 : memref<10000x16xf32, #tpu.memory_space<vmem_shared>>) dst(%dma_wait3A_179 : memref<128x16xf32, #tpu.memory_space<vmem>>)
        %run_scoped3A_188 = arith.constant 5 : i32
        "tpu.region"() ({
          %run_scoped3A_195 = tpu.sem_alloc : memref<!tpu.dma_semaphore, #tpu.memory_space<semaphore_mem>>
          %dma_start3A = arith.constant 0 : i32
          %dma_start3A_196 = arith.constant 0 : i32
          %dma_start3A_197 = tpu.memref_slice %arg8[%run_scoped3A_188, %dma_start3A, %dma_start3A_196] : memref<8x128x16xf32, #tpu.memory_space<vmem>> -> memref<1x128x16xf32, #tpu.memory_space<vmem>>
          %dma_start3A_198 = tpu.memref_squeeze %dma_start3A_197 : memref<1x128x16xf32, #tpu.memory_space<vmem>> -> memref<128x16xf32, #tpu.memory_space<vmem>>
          %dma_start3A_199 = arith.constant 0 : i32
          %dma_start3A_200 = tpu.memref_slice %arg6[%add3A_154, %dma_start3A_199] : memref<79x128xi32, #tpu.memory_space<vmem>> -> memref<1x128xi32, #tpu.memory_space<vmem>>
          %dma_start3A_201 = tpu.memref_squeeze %dma_start3A_200 : memref<1x128xi32, #tpu.memory_space<vmem>> -> memref<128xi32, #tpu.memory_space<vmem>>
          %dma_start3A_202 = arith.constant 0 : i32
          %dma_start3A_203 = arith.constant 0 : i32
          %dma_start3A_204 = tpu.memref_slice %arg9[%dma_start3A_202, %dma_start3A_203] : memref<10112x16xf32, #tpu.memory_space<vmem_shared>> -> memref<10112x16xf32, #tpu.memory_space<vmem_shared>>
          tpu.enqueue_indirect_dma source(%dma_start3A_198 : memref<128x16xf32, #tpu.memory_space<vmem>>) target(%dma_start3A_204 : memref<10112x16xf32, #tpu.memory_space<vmem_shared>>) offsets(%dma_start3A_201 : memref<128xi32, #tpu.memory_space<vmem>>) semaphore(%run_scoped3A_195 : memref<!tpu.dma_semaphore, #tpu.memory_space<semaphore_mem>>) {add = true}
          %dma_wait3A_205 = arith.constant 0 : i32
          %dma_wait3A_206 = arith.constant 0 : i32
          %dma_wait3A_207 = tpu.memref_slice %arg8[%run_scoped3A_188, %dma_wait3A_205, %dma_wait3A_206] : memref<8x128x16xf32, #tpu.memory_space<vmem>> -> memref<1x128x16xf32, #tpu.memory_space<vmem>>
          %dma_wait3A_208 = tpu.memref_squeeze %dma_wait3A_207 : memref<1x128x16xf32, #tpu.memory_space<vmem>> -> memref<128x16xf32, #tpu.memory_space<vmem>>
          %dma_wait3A_209 = arith.constant 0 : i32
          %dma_wait3A_210 = tpu.memref_slice %arg6[%add3A_154, %dma_wait3A_209] : memref<79x128xi32, #tpu.memory_space<vmem>> -> memref<1x128xi32, #tpu.memory_space<vmem>>
          %dma_wait3A_211 = tpu.memref_squeeze %dma_wait3A_210 : memref<1x128xi32, #tpu.memory_space<vmem>> -> memref<128xi32, #tpu.memory_space<vmem>>
          %dma_wait3A_212 = arith.constant 0 : i32
          %dma_wait3A_213 = arith.constant 0 : i32
          %dma_wait3A_214 = tpu.memref_slice %arg9[%dma_wait3A_212, %dma_wait3A_213] : memref<10112x16xf32, #tpu.memory_space<vmem_shared>> -> memref<10112x16xf32, #tpu.memory_space<vmem_shared>>
          tpu.wait_indirect_dma semaphore(%run_scoped3A_195 : memref<!tpu.dma_semaphore, #tpu.memory_space<semaphore_mem>>) src(%dma_wait3A_208 : memref<128x16xf32, #tpu.memory_space<vmem>>) dst(%dma_wait3A_214 : memref<10112x16xf32, #tpu.memory_space<vmem_shared>>)
          tpu.yield
        }) : () -> ()
        %add3A_189 = arith.constant 8 : i32
        %add3A_190 = arith.addi %add3A_154, %add3A_189 : i32
        %lt3A_191 = arith.cmpi slt, %add3A_190, %add3A_2 : i32
        %convert_element_type3A_192 = arith.extui %lt3A_191 : i1 to i32
        %cond3A_193 = arith.constant 0 : i32
        %cond3A_194 = arith.cmpi ne, %convert_element_type3A_192, %cond3A_193 : i32
        scf.if %cond3A_194 {
          %dma_start3A = arith.constant 5 : i32
          %dma_start3A_195 = arith.constant 5 : i32
          %dma_start3A_196 = arith.constant 0 : i32
          %dma_start3A_197 = arith.constant 0 : i32
          %dma_start3A_198 = tpu.memref_slice %arg8[%dma_start3A, %dma_start3A_196, %dma_start3A_197] : memref<8x128x16xf32, #tpu.memory_space<vmem>> -> memref<1x128x16xf32, #tpu.memory_space<vmem>>
          %dma_start3A_199 = tpu.memref_squeeze %dma_start3A_198 : memref<1x128x16xf32, #tpu.memory_space<vmem>> -> memref<128x16xf32, #tpu.memory_space<vmem>>
          %dma_start3A_200 = arith.constant 0 : i32
          %dma_start3A_201 = tpu.memref_slice %arg7[%add3A_190, %dma_start3A_200] : memref<79x128xi32, #tpu.memory_space<vmem>> -> memref<1x128xi32, #tpu.memory_space<vmem>>
          %dma_start3A_202 = tpu.memref_squeeze %dma_start3A_201 : memref<1x128xi32, #tpu.memory_space<vmem>> -> memref<128xi32, #tpu.memory_space<vmem>>
          %dma_start3A_203 = arith.constant 0 : i32
          %dma_start3A_204 = arith.constant 0 : i32
          %dma_start3A_205 = tpu.memref_slice %arg10[%dma_start3A_203, %dma_start3A_204] : memref<10000x16xf32, #tpu.memory_space<vmem_shared>> -> memref<10000x16xf32, #tpu.memory_space<vmem_shared>>
          %dma_start3A_206 = tpu.memref_slice %arg11[%dma_start3A_195] : memref<8x!tpu.dma_semaphore, #tpu.memory_space<semaphore_mem>> -> memref<1x!tpu.dma_semaphore, #tpu.memory_space<semaphore_mem>>
          %dma_start3A_207 = tpu.memref_squeeze %dma_start3A_206 : memref<1x!tpu.dma_semaphore, #tpu.memory_space<semaphore_mem>> -> memref<!tpu.dma_semaphore, #tpu.memory_space<semaphore_mem>>
          tpu.enqueue_indirect_dma source(%dma_start3A_205 : memref<10000x16xf32, #tpu.memory_space<vmem_shared>>) target(%dma_start3A_199 : memref<128x16xf32, #tpu.memory_space<vmem>>) offsets(%dma_start3A_202 : memref<128xi32, #tpu.memory_space<vmem>>) semaphore(%dma_start3A_207 : memref<!tpu.dma_semaphore, #tpu.memory_space<semaphore_mem>>)
        } else {
        }
      } else {
      }
      %mul3A_159 = arith.constant 8 : i32
      %mul3A_160 = arith.muli %scan3A_110, %mul3A_159 : i32
      %add3A_161 = arith.constant 6 : i32
      %add3A_162 = arith.addi %mul3A_160, %add3A_161 : i32
      %lt3A_163 = arith.cmpi slt, %add3A_162, %add3A_2 : i32
      %convert_element_type3A_164 = arith.extui %lt3A_163 : i1 to i32
      %cond3A_165 = arith.constant 0 : i32
      %cond3A_166 = arith.cmpi ne, %convert_element_type3A_164, %cond3A_165 : i32
      scf.if %cond3A_166 {
        %dma_wait3A = arith.constant 6 : i32
        %dma_wait3A_175 = arith.constant 6 : i32
        %dma_wait3A_176 = arith.constant 0 : i32
        %dma_wait3A_177 = arith.constant 0 : i32
        %dma_wait3A_178 = tpu.memref_slice %arg8[%dma_wait3A, %dma_wait3A_176, %dma_wait3A_177] : memref<8x128x16xf32, #tpu.memory_space<vmem>> -> memref<1x128x16xf32, #tpu.memory_space<vmem>>
        %dma_wait3A_179 = tpu.memref_squeeze %dma_wait3A_178 : memref<1x128x16xf32, #tpu.memory_space<vmem>> -> memref<128x16xf32, #tpu.memory_space<vmem>>
        %dma_wait3A_180 = arith.constant 0 : i32
        %dma_wait3A_181 = tpu.memref_slice %arg7[%add3A_162, %dma_wait3A_180] : memref<79x128xi32, #tpu.memory_space<vmem>> -> memref<1x128xi32, #tpu.memory_space<vmem>>
        %dma_wait3A_182 = tpu.memref_squeeze %dma_wait3A_181 : memref<1x128xi32, #tpu.memory_space<vmem>> -> memref<128xi32, #tpu.memory_space<vmem>>
        %dma_wait3A_183 = arith.constant 0 : i32
        %dma_wait3A_184 = arith.constant 0 : i32
        %dma_wait3A_185 = tpu.memref_slice %arg10[%dma_wait3A_183, %dma_wait3A_184] : memref<10000x16xf32, #tpu.memory_space<vmem_shared>> -> memref<10000x16xf32, #tpu.memory_space<vmem_shared>>
        %dma_wait3A_186 = tpu.memref_slice %arg11[%dma_wait3A_175] : memref<8x!tpu.dma_semaphore, #tpu.memory_space<semaphore_mem>> -> memref<1x!tpu.dma_semaphore, #tpu.memory_space<semaphore_mem>>
        %dma_wait3A_187 = tpu.memref_squeeze %dma_wait3A_186 : memref<1x!tpu.dma_semaphore, #tpu.memory_space<semaphore_mem>> -> memref<!tpu.dma_semaphore, #tpu.memory_space<semaphore_mem>>
        tpu.wait_indirect_dma semaphore(%dma_wait3A_187 : memref<!tpu.dma_semaphore, #tpu.memory_space<semaphore_mem>>) src(%dma_wait3A_185 : memref<10000x16xf32, #tpu.memory_space<vmem_shared>>) dst(%dma_wait3A_179 : memref<128x16xf32, #tpu.memory_space<vmem>>)
        %run_scoped3A_188 = arith.constant 6 : i32
        "tpu.region"() ({
          %run_scoped3A_195 = tpu.sem_alloc : memref<!tpu.dma_semaphore, #tpu.memory_space<semaphore_mem>>
          %dma_start3A = arith.constant 0 : i32
          %dma_start3A_196 = arith.constant 0 : i32
          %dma_start3A_197 = tpu.memref_slice %arg8[%run_scoped3A_188, %dma_start3A, %dma_start3A_196] : memref<8x128x16xf32, #tpu.memory_space<vmem>> -> memref<1x128x16xf32, #tpu.memory_space<vmem>>
          %dma_start3A_198 = tpu.memref_squeeze %dma_start3A_197 : memref<1x128x16xf32, #tpu.memory_space<vmem>> -> memref<128x16xf32, #tpu.memory_space<vmem>>
          %dma_start3A_199 = arith.constant 0 : i32
          %dma_start3A_200 = tpu.memref_slice %arg6[%add3A_162, %dma_start3A_199] : memref<79x128xi32, #tpu.memory_space<vmem>> -> memref<1x128xi32, #tpu.memory_space<vmem>>
          %dma_start3A_201 = tpu.memref_squeeze %dma_start3A_200 : memref<1x128xi32, #tpu.memory_space<vmem>> -> memref<128xi32, #tpu.memory_space<vmem>>
          %dma_start3A_202 = arith.constant 0 : i32
          %dma_start3A_203 = arith.constant 0 : i32
          %dma_start3A_204 = tpu.memref_slice %arg9[%dma_start3A_202, %dma_start3A_203] : memref<10112x16xf32, #tpu.memory_space<vmem_shared>> -> memref<10112x16xf32, #tpu.memory_space<vmem_shared>>
          tpu.enqueue_indirect_dma source(%dma_start3A_198 : memref<128x16xf32, #tpu.memory_space<vmem>>) target(%dma_start3A_204 : memref<10112x16xf32, #tpu.memory_space<vmem_shared>>) offsets(%dma_start3A_201 : memref<128xi32, #tpu.memory_space<vmem>>) semaphore(%run_scoped3A_195 : memref<!tpu.dma_semaphore, #tpu.memory_space<semaphore_mem>>) {add = true}
          %dma_wait3A_205 = arith.constant 0 : i32
          %dma_wait3A_206 = arith.constant 0 : i32
          %dma_wait3A_207 = tpu.memref_slice %arg8[%run_scoped3A_188, %dma_wait3A_205, %dma_wait3A_206] : memref<8x128x16xf32, #tpu.memory_space<vmem>> -> memref<1x128x16xf32, #tpu.memory_space<vmem>>
          %dma_wait3A_208 = tpu.memref_squeeze %dma_wait3A_207 : memref<1x128x16xf32, #tpu.memory_space<vmem>> -> memref<128x16xf32, #tpu.memory_space<vmem>>
          %dma_wait3A_209 = arith.constant 0 : i32
          %dma_wait3A_210 = tpu.memref_slice %arg6[%add3A_162, %dma_wait3A_209] : memref<79x128xi32, #tpu.memory_space<vmem>> -> memref<1x128xi32, #tpu.memory_space<vmem>>
          %dma_wait3A_211 = tpu.memref_squeeze %dma_wait3A_210 : memref<1x128xi32, #tpu.memory_space<vmem>> -> memref<128xi32, #tpu.memory_space<vmem>>
          %dma_wait3A_212 = arith.constant 0 : i32
          %dma_wait3A_213 = arith.constant 0 : i32
          %dma_wait3A_214 = tpu.memref_slice %arg9[%dma_wait3A_212, %dma_wait3A_213] : memref<10112x16xf32, #tpu.memory_space<vmem_shared>> -> memref<10112x16xf32, #tpu.memory_space<vmem_shared>>
          tpu.wait_indirect_dma semaphore(%run_scoped3A_195 : memref<!tpu.dma_semaphore, #tpu.memory_space<semaphore_mem>>) src(%dma_wait3A_208 : memref<128x16xf32, #tpu.memory_space<vmem>>) dst(%dma_wait3A_214 : memref<10112x16xf32, #tpu.memory_space<vmem_shared>>)
          tpu.yield
        }) : () -> ()
        %add3A_189 = arith.constant 8 : i32
        %add3A_190 = arith.addi %add3A_162, %add3A_189 : i32
        %lt3A_191 = arith.cmpi slt, %add3A_190, %add3A_2 : i32
        %convert_element_type3A_192 = arith.extui %lt3A_191 : i1 to i32
        %cond3A_193 = arith.constant 0 : i32
        %cond3A_194 = arith.cmpi ne, %convert_element_type3A_192, %cond3A_193 : i32
        scf.if %cond3A_194 {
          %dma_start3A = arith.constant 6 : i32
          %dma_start3A_195 = arith.constant 6 : i32
          %dma_start3A_196 = arith.constant 0 : i32
          %dma_start3A_197 = arith.constant 0 : i32
          %dma_start3A_198 = tpu.memref_slice %arg8[%dma_start3A, %dma_start3A_196, %dma_start3A_197] : memref<8x128x16xf32, #tpu.memory_space<vmem>> -> memref<1x128x16xf32, #tpu.memory_space<vmem>>
          %dma_start3A_199 = tpu.memref_squeeze %dma_start3A_198 : memref<1x128x16xf32, #tpu.memory_space<vmem>> -> memref<128x16xf32, #tpu.memory_space<vmem>>
          %dma_start3A_200 = arith.constant 0 : i32
          %dma_start3A_201 = tpu.memref_slice %arg7[%add3A_190, %dma_start3A_200] : memref<79x128xi32, #tpu.memory_space<vmem>> -> memref<1x128xi32, #tpu.memory_space<vmem>>
          %dma_start3A_202 = tpu.memref_squeeze %dma_start3A_201 : memref<1x128xi32, #tpu.memory_space<vmem>> -> memref<128xi32, #tpu.memory_space<vmem>>
          %dma_start3A_203 = arith.constant 0 : i32
          %dma_start3A_204 = arith.constant 0 : i32
          %dma_start3A_205 = tpu.memref_slice %arg10[%dma_start3A_203, %dma_start3A_204] : memref<10000x16xf32, #tpu.memory_space<vmem_shared>> -> memref<10000x16xf32, #tpu.memory_space<vmem_shared>>
          %dma_start3A_206 = tpu.memref_slice %arg11[%dma_start3A_195] : memref<8x!tpu.dma_semaphore, #tpu.memory_space<semaphore_mem>> -> memref<1x!tpu.dma_semaphore, #tpu.memory_space<semaphore_mem>>
          %dma_start3A_207 = tpu.memref_squeeze %dma_start3A_206 : memref<1x!tpu.dma_semaphore, #tpu.memory_space<semaphore_mem>> -> memref<!tpu.dma_semaphore, #tpu.memory_space<semaphore_mem>>
          tpu.enqueue_indirect_dma source(%dma_start3A_205 : memref<10000x16xf32, #tpu.memory_space<vmem_shared>>) target(%dma_start3A_199 : memref<128x16xf32, #tpu.memory_space<vmem>>) offsets(%dma_start3A_202 : memref<128xi32, #tpu.memory_space<vmem>>) semaphore(%dma_start3A_207 : memref<!tpu.dma_semaphore, #tpu.memory_space<semaphore_mem>>)
        } else {
        }
      } else {
      }
      %mul3A_167 = arith.constant 8 : i32
      %mul3A_168 = arith.muli %scan3A_110, %mul3A_167 : i32
      %add3A_169 = arith.constant 7 : i32
      %add3A_170 = arith.addi %mul3A_168, %add3A_169 : i32
      %lt3A_171 = arith.cmpi slt, %add3A_170, %add3A_2 : i32
      %convert_element_type3A_172 = arith.extui %lt3A_171 : i1 to i32
      %cond3A_173 = arith.constant 0 : i32
      %cond3A_174 = arith.cmpi ne, %convert_element_type3A_172, %cond3A_173 : i32
      scf.if %cond3A_174 {
        %dma_wait3A = arith.constant 7 : i32
        %dma_wait3A_175 = arith.constant 7 : i32
        %dma_wait3A_176 = arith.constant 0 : i32
        %dma_wait3A_177 = arith.constant 0 : i32
        %dma_wait3A_178 = tpu.memref_slice %arg8[%dma_wait3A, %dma_wait3A_176, %dma_wait3A_177] : memref<8x128x16xf32, #tpu.memory_space<vmem>> -> memref<1x128x16xf32, #tpu.memory_space<vmem>>
        %dma_wait3A_179 = tpu.memref_squeeze %dma_wait3A_178 : memref<1x128x16xf32, #tpu.memory_space<vmem>> -> memref<128x16xf32, #tpu.memory_space<vmem>>
        %dma_wait3A_180 = arith.constant 0 : i32
        %dma_wait3A_181 = tpu.memref_slice %arg7[%add3A_170, %dma_wait3A_180] : memref<79x128xi32, #tpu.memory_space<vmem>> -> memref<1x128xi32, #tpu.memory_space<vmem>>
        %dma_wait3A_182 = tpu.memref_squeeze %dma_wait3A_181 : memref<1x128xi32, #tpu.memory_space<vmem>> -> memref<128xi32, #tpu.memory_space<vmem>>
        %dma_wait3A_183 = arith.constant 0 : i32
        %dma_wait3A_184 = arith.constant 0 : i32
        %dma_wait3A_185 = tpu.memref_slice %arg10[%dma_wait3A_183, %dma_wait3A_184] : memref<10000x16xf32, #tpu.memory_space<vmem_shared>> -> memref<10000x16xf32, #tpu.memory_space<vmem_shared>>
        %dma_wait3A_186 = tpu.memref_slice %arg11[%dma_wait3A_175] : memref<8x!tpu.dma_semaphore, #tpu.memory_space<semaphore_mem>> -> memref<1x!tpu.dma_semaphore, #tpu.memory_space<semaphore_mem>>
        %dma_wait3A_187 = tpu.memref_squeeze %dma_wait3A_186 : memref<1x!tpu.dma_semaphore, #tpu.memory_space<semaphore_mem>> -> memref<!tpu.dma_semaphore, #tpu.memory_space<semaphore_mem>>
        tpu.wait_indirect_dma semaphore(%dma_wait3A_187 : memref<!tpu.dma_semaphore, #tpu.memory_space<semaphore_mem>>) src(%dma_wait3A_185 : memref<10000x16xf32, #tpu.memory_space<vmem_shared>>) dst(%dma_wait3A_179 : memref<128x16xf32, #tpu.memory_space<vmem>>)
        %run_scoped3A_188 = arith.constant 7 : i32
        "tpu.region"() ({
          %run_scoped3A_195 = tpu.sem_alloc : memref<!tpu.dma_semaphore, #tpu.memory_space<semaphore_mem>>
          %dma_start3A = arith.constant 0 : i32
          %dma_start3A_196 = arith.constant 0 : i32
          %dma_start3A_197 = tpu.memref_slice %arg8[%run_scoped3A_188, %dma_start3A, %dma_start3A_196] : memref<8x128x16xf32, #tpu.memory_space<vmem>> -> memref<1x128x16xf32, #tpu.memory_space<vmem>>
          %dma_start3A_198 = tpu.memref_squeeze %dma_start3A_197 : memref<1x128x16xf32, #tpu.memory_space<vmem>> -> memref<128x16xf32, #tpu.memory_space<vmem>>
          %dma_start3A_199 = arith.constant 0 : i32
          %dma_start3A_200 = tpu.memref_slice %arg6[%add3A_170, %dma_start3A_199] : memref<79x128xi32, #tpu.memory_space<vmem>> -> memref<1x128xi32, #tpu.memory_space<vmem>>
          %dma_start3A_201 = tpu.memref_squeeze %dma_start3A_200 : memref<1x128xi32, #tpu.memory_space<vmem>> -> memref<128xi32, #tpu.memory_space<vmem>>
          %dma_start3A_202 = arith.constant 0 : i32
          %dma_start3A_203 = arith.constant 0 : i32
          %dma_start3A_204 = tpu.memref_slice %arg9[%dma_start3A_202, %dma_start3A_203] : memref<10112x16xf32, #tpu.memory_space<vmem_shared>> -> memref<10112x16xf32, #tpu.memory_space<vmem_shared>>
          tpu.enqueue_indirect_dma source(%dma_start3A_198 : memref<128x16xf32, #tpu.memory_space<vmem>>) target(%dma_start3A_204 : memref<10112x16xf32, #tpu.memory_space<vmem_shared>>) offsets(%dma_start3A_201 : memref<128xi32, #tpu.memory_space<vmem>>) semaphore(%run_scoped3A_195 : memref<!tpu.dma_semaphore, #tpu.memory_space<semaphore_mem>>) {add = true}
          %dma_wait3A_205 = arith.constant 0 : i32
          %dma_wait3A_206 = arith.constant 0 : i32
          %dma_wait3A_207 = tpu.memref_slice %arg8[%run_scoped3A_188, %dma_wait3A_205, %dma_wait3A_206] : memref<8x128x16xf32, #tpu.memory_space<vmem>> -> memref<1x128x16xf32, #tpu.memory_space<vmem>>
          %dma_wait3A_208 = tpu.memref_squeeze %dma_wait3A_207 : memref<1x128x16xf32, #tpu.memory_space<vmem>> -> memref<128x16xf32, #tpu.memory_space<vmem>>
          %dma_wait3A_209 = arith.constant 0 : i32
          %dma_wait3A_210 = tpu.memref_slice %arg6[%add3A_170, %dma_wait3A_209] : memref<79x128xi32, #tpu.memory_space<vmem>> -> memref<1x128xi32, #tpu.memory_space<vmem>>
          %dma_wait3A_211 = tpu.memref_squeeze %dma_wait3A_210 : memref<1x128xi32, #tpu.memory_space<vmem>> -> memref<128xi32, #tpu.memory_space<vmem>>
          %dma_wait3A_212 = arith.constant 0 : i32
          %dma_wait3A_213 = arith.constant 0 : i32
          %dma_wait3A_214 = tpu.memref_slice %arg9[%dma_wait3A_212, %dma_wait3A_213] : memref<10112x16xf32, #tpu.memory_space<vmem_shared>> -> memref<10112x16xf32, #tpu.memory_space<vmem_shared>>
          tpu.wait_indirect_dma semaphore(%run_scoped3A_195 : memref<!tpu.dma_semaphore, #tpu.memory_space<semaphore_mem>>) src(%dma_wait3A_208 : memref<128x16xf32, #tpu.memory_space<vmem>>) dst(%dma_wait3A_214 : memref<10112x16xf32, #tpu.memory_space<vmem_shared>>)
          tpu.yield
        }) : () -> ()
        %add3A_189 = arith.constant 8 : i32
        %add3A_190 = arith.addi %add3A_170, %add3A_189 : i32
        %lt3A_191 = arith.cmpi slt, %add3A_190, %add3A_2 : i32
        %convert_element_type3A_192 = arith.extui %lt3A_191 : i1 to i32
        %cond3A_193 = arith.constant 0 : i32
        %cond3A_194 = arith.cmpi ne, %convert_element_type3A_192, %cond3A_193 : i32
        scf.if %cond3A_194 {
          %dma_start3A = arith.constant 7 : i32
          %dma_start3A_195 = arith.constant 7 : i32
          %dma_start3A_196 = arith.constant 0 : i32
          %dma_start3A_197 = arith.constant 0 : i32
          %dma_start3A_198 = tpu.memref_slice %arg8[%dma_start3A, %dma_start3A_196, %dma_start3A_197] : memref<8x128x16xf32, #tpu.memory_space<vmem>> -> memref<1x128x16xf32, #tpu.memory_space<vmem>>
          %dma_start3A_199 = tpu.memref_squeeze %dma_start3A_198 : memref<1x128x16xf32, #tpu.memory_space<vmem>> -> memref<128x16xf32, #tpu.memory_space<vmem>>
          %dma_start3A_200 = arith.constant 0 : i32
          %dma_start3A_201 = tpu.memref_slice %arg7[%add3A_190, %dma_start3A_200] : memref<79x128xi32, #tpu.memory_space<vmem>> -> memref<1x128xi32, #tpu.memory_space<vmem>>
          %dma_start3A_202 = tpu.memref_squeeze %dma_start3A_201 : memref<1x128xi32, #tpu.memory_space<vmem>> -> memref<128xi32, #tpu.memory_space<vmem>>
          %dma_start3A_203 = arith.constant 0 : i32
          %dma_start3A_204 = arith.constant 0 : i32
          %dma_start3A_205 = tpu.memref_slice %arg10[%dma_start3A_203, %dma_start3A_204] : memref<10000x16xf32, #tpu.memory_space<vmem_shared>> -> memref<10000x16xf32, #tpu.memory_space<vmem_shared>>
          %dma_start3A_206 = tpu.memref_slice %arg11[%dma_start3A_195] : memref<8x!tpu.dma_semaphore, #tpu.memory_space<semaphore_mem>> -> memref<1x!tpu.dma_semaphore, #tpu.memory_space<semaphore_mem>>
          %dma_start3A_207 = tpu.memref_squeeze %dma_start3A_206 : memref<1x!tpu.dma_semaphore, #tpu.memory_space<semaphore_mem>> -> memref<!tpu.dma_semaphore, #tpu.memory_space<semaphore_mem>>
          tpu.enqueue_indirect_dma source(%dma_start3A_205 : memref<10000x16xf32, #tpu.memory_space<vmem_shared>>) target(%dma_start3A_199 : memref<128x16xf32, #tpu.memory_space<vmem>>) offsets(%dma_start3A_202 : memref<128xi32, #tpu.memory_space<vmem>>) semaphore(%dma_start3A_207 : memref<!tpu.dma_semaphore, #tpu.memory_space<semaphore_mem>>)
        } else {
        }
      } else {
      }
    }
    %scan3A_98 = arith.constant 10 : i32
    %barrier3A_99 = arith.constant 0 : index
    tpu.barrier barrier_id(%barrier3A_99)
    %lt3A_100 = arith.constant 15 : i32
    %lt3A_101 = arith.cmpi slt, %arg1, %lt3A_100 : i32
    %convert_element_type3A_102 = arith.extui %lt3A_101 : i1 to i32
    %cond3A_103 = arith.constant 0 : i32
    %cond3A_104 = arith.cmpi ne, %convert_element_type3A_102, %cond3A_103 : i32
    scf.if %cond3A_104 {
      %run_scoped3A_110 = arith.constant 0 : i32
      "tpu.region"() ({
        %run_scoped3A_111 = tpu.sem_alloc : memref<!tpu.dma_semaphore, #tpu.memory_space<semaphore_mem>>
        %dma_start3A = arith.constant 0 : i32
        %dma_start3A_112 = tpu.memref_slice %arg5[%run_scoped3A_110, %mul3A_8, %dma_start3A] : memref<1x10000x128xf32, #tpu.memory_space<hbm>> -> memref<1x632x16xf32, #tpu.memory_space<hbm>>
        %dma_start3A_113 = tpu.memref_squeeze %dma_start3A_112 : memref<1x632x16xf32, #tpu.memory_space<hbm>> -> memref<632x16xf32, #tpu.memory_space<hbm>>
        %dma_start3A_114 = arith.constant 0 : i32
        %dma_start3A_115 = tpu.memref_slice %arg9[%mul3A_8, %dma_start3A_114] : memref<10112x16xf32, #tpu.memory_space<vmem_shared>> -> memref<632x16xf32, #tpu.memory_space<vmem_shared>>
        tpu.enqueue_dma source(%dma_start3A_115 : memref<632x16xf32, #tpu.memory_space<vmem_shared>>) target(%dma_start3A_113 : memref<632x16xf32, #tpu.memory_space<hbm>>) target_semaphore(%run_scoped3A_111 : memref<!tpu.dma_semaphore, #tpu.memory_space<semaphore_mem>>)
        %dma_wait3A = arith.constant 0 : i32
        %dma_wait3A_116 = tpu.memref_slice %arg5[%run_scoped3A_110, %mul3A_8, %dma_wait3A] : memref<1x10000x128xf32, #tpu.memory_space<hbm>> -> memref<1x632x16xf32, #tpu.memory_space<hbm>>
        %dma_wait3A_117 = tpu.memref_squeeze %dma_wait3A_116 : memref<1x632x16xf32, #tpu.memory_space<hbm>> -> memref<632x16xf32, #tpu.memory_space<hbm>>
        %dma_wait3A_118 = arith.constant 0 : i32
        %dma_wait3A_119 = tpu.memref_slice %arg9[%mul3A_8, %dma_wait3A_118] : memref<10112x16xf32, #tpu.memory_space<vmem_shared>> -> memref<632x16xf32, #tpu.memory_space<vmem_shared>>
        tpu.wait_dma2 semaphore(%run_scoped3A_111 : memref<!tpu.dma_semaphore, #tpu.memory_space<semaphore_mem>>) src(%dma_wait3A_119 : memref<632x16xf32, #tpu.memory_space<vmem_shared>>) dst(%dma_wait3A_117 : memref<632x16xf32, #tpu.memory_space<hbm>>)
        tpu.yield
      }) : () -> ()
    } else {
    }
    %eq3A_105 = arith.constant 15 : i32
    %eq3A_106 = arith.cmpi eq, %arg1, %eq3A_105 : i32
    %convert_element_type3A_107 = arith.extui %eq3A_106 : i1 to i32
    %cond3A_108 = arith.constant 0 : i32
    %cond3A_109 = arith.cmpi ne, %convert_element_type3A_107, %cond3A_108 : i32
    scf.if %cond3A_109 {
      %run_scoped3A_110 = arith.constant 0 : i32
      "tpu.region"() ({
        %run_scoped3A_111 = tpu.sem_alloc : memref<!tpu.dma_semaphore, #tpu.memory_space<semaphore_mem>>
        %dma_start3A = arith.constant 9480 : i32
        %dma_start3A_112 = arith.constant 0 : i32
        %dma_start3A_113 = tpu.memref_slice %arg5[%run_scoped3A_110, %dma_start3A, %dma_start3A_112] : memref<1x10000x128xf32, #tpu.memory_space<hbm>> -> memref<1x520x16xf32, #tpu.memory_space<hbm>>
        %dma_start3A_114 = tpu.memref_squeeze %dma_start3A_113 : memref<1x520x16xf32, #tpu.memory_space<hbm>> -> memref<520x16xf32, #tpu.memory_space<hbm>>
        %dma_start3A_115 = arith.constant 9480 : i32
        %dma_start3A_116 = arith.constant 0 : i32
        %dma_start3A_117 = tpu.memref_slice %arg9[%dma_start3A_115, %dma_start3A_116] : memref<10112x16xf32, #tpu.memory_space<vmem_shared>> -> memref<520x16xf32, #tpu.memory_space<vmem_shared>>
        tpu.enqueue_dma source(%dma_start3A_117 : memref<520x16xf32, #tpu.memory_space<vmem_shared>>) target(%dma_start3A_114 : memref<520x16xf32, #tpu.memory_space<hbm>>) target_semaphore(%run_scoped3A_111 : memref<!tpu.dma_semaphore, #tpu.memory_space<semaphore_mem>>)
        %dma_wait3A = arith.constant 9480 : i32
        %dma_wait3A_118 = arith.constant 0 : i32
        %dma_wait3A_119 = tpu.memref_slice %arg5[%run_scoped3A_110, %dma_wait3A, %dma_wait3A_118] : memref<1x10000x128xf32, #tpu.memory_space<hbm>> -> memref<1x520x16xf32, #tpu.memory_space<hbm>>
        %dma_wait3A_120 = tpu.memref_squeeze %dma_wait3A_119 : memref<1x520x16xf32, #tpu.memory_space<hbm>> -> memref<520x16xf32, #tpu.memory_space<hbm>>
        %dma_wait3A_121 = arith.constant 9480 : i32
        %dma_wait3A_122 = arith.constant 0 : i32
        %dma_wait3A_123 = tpu.memref_slice %arg9[%dma_wait3A_121, %dma_wait3A_122] : memref<10112x16xf32, #tpu.memory_space<vmem_shared>> -> memref<520x16xf32, #tpu.memory_space<vmem_shared>>
        tpu.wait_dma2 semaphore(%run_scoped3A_111 : memref<!tpu.dma_semaphore, #tpu.memory_space<semaphore_mem>>) src(%dma_wait3A_123 : memref<520x16xf32, #tpu.memory_space<vmem_shared>>) dst(%dma_wait3A_120 : memref<520x16xf32, #tpu.memory_space<hbm>>)
        tpu.yield
      }) : () -> ()
    } else {
    }
    return
  }
}

module attributes {stable_mosaic.version = 14 : i64} {
  func.func @_mm_body(%arg0: i32, %arg1: memref<1x2000x128xf32, #tpu.memory_space<vmem>>, %arg2: memref<128x128xf32, #tpu.memory_space<vmem>>, %arg3: memref<2000x128xf32, #tpu.memory_space<vmem>>) attributes {dimension_semantics = [#tpu.dimension_semantics<arbitrary>], iteration_bounds = array<i64: 5>, scalar_prefetch = 0 : i64, scratch_operands = 0 : i64, tpu.core_type = #tpu.core_type<tc>, window_params = [{transform_indices = @transform_0, window_bounds = array<i64: 1, 2000, 128>}, {pipeline_mode = #tpu.pipeline_mode<synchronous>, transform_indices = @transform_1, window_bounds = array<i64: 128, 128>}, {transform_indices = @transform_2, window_bounds = array<i64: 2000, 128>}]} {
    %get3A = arith.constant 0 : index
    %get3A_0 = arith.constant 0 : index
    %get3A_1 = vector.load %arg2[%get3A, %get3A_0] : memref<128x128xf32, #tpu.memory_space<vmem>>, vector<128x128xf32>
    %slice3A = vector.extract_strided_slice %get3A_1 {offsets = [0, 0], sizes = [128, 16], strides = [1, 1]} : vector<128x128xf32> to vector<128x16xf32>
    %slice3A_2 = vector.extract_strided_slice %get3A_1 {offsets = [0, 16], sizes = [128, 16], strides = [1, 1]} : vector<128x128xf32> to vector<128x16xf32>
    %add3A = arith.addf %slice3A, %slice3A_2 : vector<128x16xf32>
    %slice3A_3 = vector.extract_strided_slice %get3A_1 {offsets = [0, 32], sizes = [128, 16], strides = [1, 1]} : vector<128x128xf32> to vector<128x16xf32>
    %add3A_4 = arith.addf %add3A, %slice3A_3 : vector<128x16xf32>
    %slice3A_5 = vector.extract_strided_slice %get3A_1 {offsets = [0, 48], sizes = [128, 16], strides = [1, 1]} : vector<128x128xf32> to vector<128x16xf32>
    %add3A_6 = arith.addf %add3A_4, %slice3A_5 : vector<128x16xf32>
    %slice3A_7 = vector.extract_strided_slice %get3A_1 {offsets = [0, 64], sizes = [128, 16], strides = [1, 1]} : vector<128x128xf32> to vector<128x16xf32>
    %add3A_8 = arith.addf %add3A_6, %slice3A_7 : vector<128x16xf32>
    %slice3A_9 = vector.extract_strided_slice %get3A_1 {offsets = [0, 80], sizes = [128, 16], strides = [1, 1]} : vector<128x128xf32> to vector<128x16xf32>
    %add3A_10 = arith.addf %add3A_8, %slice3A_9 : vector<128x16xf32>
    %slice3A_11 = vector.extract_strided_slice %get3A_1 {offsets = [0, 96], sizes = [128, 16], strides = [1, 1]} : vector<128x128xf32> to vector<128x16xf32>
    %add3A_12 = arith.addf %add3A_10, %slice3A_11 : vector<128x16xf32>
    %slice3A_13 = vector.extract_strided_slice %get3A_1 {offsets = [0, 112], sizes = [128, 16], strides = [1, 1]} : vector<128x128xf32> to vector<128x16xf32>
    %add3A_14 = arith.addf %add3A_12, %slice3A_13 : vector<128x16xf32>
    %get3A_15 = arith.constant 0 : index
    %get3A_16 = arith.constant 0 : index
    %get3A_17 = arith.constant 0 : index
    %get3A_18 = vector.load %arg1[%get3A_15, %get3A_16, %get3A_17] : memref<1x2000x128xf32, #tpu.memory_space<vmem>>, vector<1x2000x128xf32>
    %get3A_19 = vector.shape_cast %get3A_18 : vector<1x2000x128xf32> to vector<2000x128xf32>
    %dot_general3A = arith.constant dense<0.000000e+00> : vector<2000x16xf32>
    %dot_general3A_20 = tpu.matmul %get3A_19, %add3A_14, %dot_general3A {dimension_numbers = #tpu.dot_dimension_numbers<[1], [0], [0], [1], [0, 0, 1, 1], [], []>, transpose_lhs_hint = false} : vector<2000x128xf32>, vector<128x16xf32>, vector<2000x16xf32> -> vector<2000x16xf32>
    %mul3A = arith.constant 1.250000e-01 : f32
    %mul3A_21 = vector.broadcast %mul3A : f32 to vector<2000x16xf32>
    %mul3A_22 = arith.mulf %dot_general3A_20, %mul3A_21 : vector<2000x16xf32>
    %broadcast_in_dim3A = arith.constant 0.000000e+00 : f32
    %broadcast_in_dim3A_23 = vector.broadcast %broadcast_in_dim3A : f32 to vector<2000x112xf32>
    %concatenate3A = tpu.concatenate %mul3A_22, %broadcast_in_dim3A_23 in 1 : vector<2000x16xf32>, vector<2000x112xf32> -> vector<2000x128xf32>
    %swap3A = arith.constant 0 : index
    %swap3A_24 = arith.constant 0 : index
    %swap3A_25 = vector.load %arg3[%swap3A, %swap3A_24] : memref<2000x128xf32, #tpu.memory_space<vmem>>, vector<2000x128xf32>
    tpu.vector_store %arg3[%swap3A, %swap3A_24], %concatenate3A {strides = array<i32>} : memref<2000x128xf32, #tpu.memory_space<vmem>>, vector<2000x128xf32>,
    return
  }
  func.func @transform_0(%arg0: i32) -> (i32, i32, i32) {
    %c0_i32 = arith.constant 0 : i32
    %c0_i32_0 = arith.constant 0 : i32
    %c0_i32_1 = arith.constant 0 : i32
    return %c0_i32, %arg0, %c0_i32_0 : i32, i32, i32
  }
  func.func @transform_1(%arg0: i32) -> (i32, i32) {
    %c0_i32 = arith.constant 0 : i32
    %c0_i32_0 = arith.constant 0 : i32
    %c0_i32_1 = arith.constant 0 : i32
    return %c0_i32, %c0_i32_0 : i32, i32
  }
  func.func @transform_2(%arg0: i32) -> (i32, i32) {
    %c0_i32 = arith.constant 0 : i32
    %c0_i32_0 = arith.constant 0 : i32
    return %arg0, %c0_i32 : i32, i32
  }
}

</mosaic_0001>

<sc_bundles>
// kernel: kernel.4.cloned.1.call-start
scs
__scs_entry_jumppad:
0x0: {  	(pc) =	sbr.rel $0x88, $3  }
0x1: {  	(tag) =	ssettag $0x0;
	lr =	simm.s32 $0x1  }
0x2: {  	[smem:$0x3F9E] =	sst lr;
	_ =	strace $0xD0000000  }
0x3: {  	_ = 	snop  }
0x4: {  	_ = 	snop  }
0x5: {  	_ = 	snop  }
0x6: {  	_ = 	snop  }
0x7: {  	_ = 	snop  }
__scs_overlays_trampoline_lowered:
0x8: {  	[smem:$0x3FAD] =	sst s0  }
0x9: {  	[smem:$0x3FAE] =	sst s1  }
0xa: {  	[smem:$0x3FAF] =	sst s2  }
0xb: {  	[smem:$0x3FB0] =	sst s3  }
0xc: {  	[smem:$0x3FB1] =	sst s4  }
0xd: {  	[smem:$0x3FB2] =	sst s5  }
0xe: {  	[smem:$0x3FB3] =	sst s6  }
0xf: {  	[smem:$0x3FB4] =	sst s7  }
0x10: {  	[smem:$0x3FB5] =	sst s8  }
0x11: {  	[smem:$0x3FB6] =	sst s9;
	s0 =	simm.s32 @!p0 $0x0  }
0x12: {  	s1 =	sld [smem:$0x3F9C];
	s0 =	simm.s32 @p0 $0x1  }
0x13: {  	[smem:$0x3FB7] =	sst s0;
	s0 =	simm.s32 @!p1 $0x0  }
0x14: {  	s2 =	sld [smem:$0x3F9B];
	s0 =	simm.s32 @p1 $0x1  }
0x15: {  	[smem:$0x3FB8] =	sst s0;
	s0 =	simm.s32 @!p2 $0x0  }
0x16: {  	s3 =	sld [smem:$0x3FDB];
	s0 =	simm.s32 @p2 $0x1  }
0x17: {  	s4 =	simm.s32 $0x1BF5;
	[smem:$0x3FBA] =	sst s0  }
0x18: {  	s0 =	sld [smem:$0x3F9D];
	_ =	swait.ge [sflag:s4], $0x0  }
0x19: {  	s7 =	sld [smem:$0x3F9E]  }
0x1a: {  	s8 =	sadd.s32 $0xFFFFE003, lr  }
0x1b: {  	s9 =	sadd.s32 $0xFFFFFEF7, lr;
	s5 =	simm.s32 $0xFFFFFFFF;
	p2 =	slt.u32 s8, $0xFFFFF086  }
0x1c: {  	p1 =	slt.u32 s9, $0xF7A;
	s5 =	simm.s32 @!p2 $0x0  }
0x1d: {  	s5 =	simm.s32 @p1 $0x1;
	p0 =	seq.s32 s7, s2  }
0x1e: {  	s7 =	smul.u32 @!p0 $0xF7A, s2;
	p2 =	seq.s32 @!p0 s5, $0x0  }
0x1f: {  	s9 =	smul.u32 $0xF7A, s1;
	s8 =	simm.s32 @!p0 $0x1BF5;
	p2 =	por !p2, p0  }
0x20: {  	[sflag:s8] =	ssyncset.s32 @!p0 $0xFFFFF086;
	s6 =	sadd.s32 @!p0 s3, s7;
	s7 =	simm.s32 @!p0 $0x108  }
0x21: {  	s3 =	sadd.s32 s3, s9;
	s6 =	sadd.s32 @!p0 $0x88, s6;
	s7 =	simm.s32 @p2 $0x1082  }
0x22: {  	[simem:s7], [sflag:s8] =	dma.local @!p0 [hbm:s6], $0xF7A  }
0x23: {  	s9 =	sor.u32 $0xD0000000, s2;
	s6 =	simm.s32 $0x108;
	_ =	swait.ge @!p0 [sflag:s8], $0x0  }
0x24: {  	s3 =	sadd.s32 $0x88, s3;
	s6 =	simm.s32 @!p1 $0x1082;
	[sflag:s4] =	ssyncset.s32 $0xFFFFF086  }
0x25: {  	[simem:s6], [sflag:s4] =	dma.local [hbm:s3], $0xF7A  }
0x26: {  	[smem:$0x3F9E] =	sst s1;
	(tag) =	ssettag s2;
	_ =	strace s9  }
0x27: {  	s1 =	sld [smem:$0x3FAE]  }
0x28: {  	s2 =	sld [smem:$0x3FAF]  }
0x29: {  	s4 =	sld [smem:$0x3FB1]  }
0x2a: {  	p0 =	seq.s32 s5, $0x0;
	s5 =	sld [smem:$0x3FB2]  }
0x2b: {  	s6 =	sld [smem:$0x3FB3]  }
0x2c: {  	s7 =	sld [smem:$0x3FB4]  }
0x2d: {  	s3 =	simm.s32 $0x108;
	s8 =	sld [smem:$0x3FB5]  }
0x2e: {  	s3 =	simm.s32 @!p0 $0x1082;
	s9 =	sld [smem:$0x3FB6]  }
0x2f: {  	lr =	sadd.s32 s0, s3;
	s0 =	sld [smem:$0x3FAD]  }
0x30: {  	s3 =	sld [smem:$0x3FB0]  }
0x31: {  	[smem:$0x3FB9] =	sst s10  }
0x32: {  	s10 =	sld [smem:$0x3FB7];
	_ =	sdelay $0x3  }
0x33: {  	p0 =	seq.s32 s10, $0x1;
	s10 =	sld [smem:$0x3FB9];
	_ =	sdelay $0x3  }
0x34: {  	[smem:$0x3FB9] =	sst s10  }
0x35: {  	s10 =	sld [smem:$0x3FB8];
	_ =	sdelay $0x3  }
0x36: {  	p1 =	seq.s32 s10, $0x1;
	s10 =	sld [smem:$0x3FB9];
	_ =	sdelay $0x3  }
0x37: {  	[smem:$0x3FB9] =	sst s10  }
0x38: {  	s10 =	sld [smem:$0x3FBA]  }
0x39: {  	_ = 	snop;
	(pc) =	sbr.ind lr, $3  }
0x3a: {  	_ = 	snop  }
0x3b: {  	_ = 	snop  }
0x3c: {  	p2 =	seq.s32 s10, $0x1;
	s10 =	sld [smem:$0x3FB9]  }
0x3d: {  	_ =	shalt  }
0x3e: {  	_ =	shalt  }
0x3f: {  	_ =	shalt  }
0x40: {  	_ =	shalt  }
0x41: {  	_ =	shalt  }
0x42: {  	_ =	shalt  }
0x43: {  	_ =	shalt  }
0x44: {  	_ =	shalt  }
0x45: {  	_ =	shalt  }
0x46: {  	_ =	shalt  }
0x47: {  	_ =	shalt  }
0x48: {  	_ =	shalt  }
0x49: {  	_ =	shalt  }
0x4a: {  	_ =	shalt  }
0x4b: {  	_ =	shalt  }
0x4c: {  	_ =	shalt  }
0x4d: {  	_ =	shalt  }
0x4e: {  	_ =	shalt  }
0x4f: {  	_ =	shalt  }
0x50: {  	_ =	shalt  }
0x51: {  	_ =	shalt  }
0x52: {  	_ =	shalt  }
0x53: {  	_ =	shalt  }
0x54: {  	_ =	shalt  }
0x55: {  	_ =	shalt  }
0x56: {  	_ =	shalt  }
0x57: {  	_ =	shalt  }
0x58: {  	_ =	shalt  }
0x59: {  	_ =	shalt  }
0x5a: {  	_ =	shalt  }
0x5b: {  	_ =	shalt  }
0x5c: {  	_ =	shalt  }
0x5d: {  	_ =	shalt  }
0x5e: {  	_ =	shalt  }
0x5f: {  	_ =	shalt  }
0x60: {  	_ =	shalt  }
0x61: {  	_ =	shalt  }
0x62: {  	_ =	shalt  }
0x63: {  	_ =	shalt  }
0x64: {  	_ =	shalt  }
0x65: {  	_ =	shalt  }
0x66: {  	_ =	shalt  }
0x67: {  	_ =	shalt  }
0x68: {  	_ =	shalt  }
0x69: {  	_ =	shalt  }
0x6a: {  	_ =	shalt  }
0x6b: {  	_ =	shalt  }
0x6c: {  	_ =	shalt  }
0x6d: {  	_ =	shalt  }
0x6e: {  	_ =	shalt  }
0x6f: {  	_ =	shalt  }
0x70: {  	_ =	shalt  }
0x71: {  	_ =	shalt  }
0x72: {  	_ =	shalt  }
0x73: {  	_ =	shalt  }
0x74: {  	_ =	shalt  }
0x75: {  	_ =	shalt  }
0x76: {  	_ =	shalt  }
0x77: {  	_ =	shalt  }
0x78: {  	_ =	shalt  }
0x79: {  	_ =	shalt  }
0x7a: {  	_ =	shalt  }
0x7b: {  	_ =	shalt  }
0x7c: {  	_ =	shalt  }
0x7d: {  	_ =	shalt  }
0x7e: {  	_ =	shalt  }
0x7f: {  	_ =	shalt  }
0x80: {  	_ =	shalt  }
0x81: {  	_ =	shalt  }
0x82: {  	_ =	shalt  }
0x83: {  	_ =	shalt  }
0x84: {  	_ =	shalt  }
0x85: {  	_ =	shalt  }
0x86: {  	_ =	shalt  }
0x87: {  	_ =	shalt  }
.Lfunc_end0:
.L_simem_size_0:
called_computation_lowered:
.L_overlay_start_0:
0x88: {  	s0 =	sld [smem:$0x3FD9]  }
0x89: {  	s1 =	sld [smem:$0x3FFE];
	_ =	sdelay $0x3  }
0x8a: {  	s0 =	sadd.s32 s1, s0  }
0x8b: {  	[smem:$0x3FC5] =	sst s0  }
0x8c: {  	_ = 	snop  }
0x8d: {  	s0 =	sld [smem:$0x3FD0];
	(tm) =	ssettm $0x1  }
0x8e: {  	s16 =	sld [smem:$0x3FFB];
	_ =	sdelay $0x3  }
0x8f: {  	_ =	strace s16  }
0x90: {  	s1 =	sld [smem:$0x3FFC];
	_ =	sdelay $0x3  }
0x91: {  	_ =	strace s1  }
0x92: {  	s1 =	sld [smem:$0x3FFD];
	_ =	sdelay $0x3  }
0x93: {  	_ =	strace s1  }
0x94: {  	_ =	strace $0x8FFFFFFF  }
0x95: {  	s17 =	sld [smem:$0x3FDB];
	_ =	sdelay $0x1  }
0x96: {  	s2 =	simm.s32 $_scs_section_size  }
0x97: {  	s3 =	simm.s32 $_size__tile_overlayer_lowered;
	s4 =	simm.s32 $_tile_overlayer_lowered  }
0x98: {  	s20 =	simm.s32 $0x1BFF;
	s19 =	sshll.u32 s4, $0x1;
	s1 =	sadd.s32 s2, s17  }
0x99: {  	s5 =	simm.s32 $0x0;
	s18 =	sshll.u32 s3, $0x1;
	s3 =	sadd.s32 s19, s1  }
0x9a: {  	[timem:s5], [sflag:s20] =	dma.local [hbm:s3], s18  }
0x9b: {  	_ =	swait.ge [sflag:s20], s18  }
0x9c: {  	s2 =	ssub.s32 $0x0, s18;
	[sflag:s20] =	ssyncset.done $0x0  }
0x9d: {  	[sflag:s20] =	ssyncadd.s32 s2;
	_ =	sdelay $0x1  }
0x9e: {  	s21 =	simm.s32 $0x1B8B  }
0x9f: {  	_ =	swait.ge [sflag:s21], $0x1  }
0xa0: {  	[sflag:s21] =	ssyncset.done $0x0  }
0xa1: {  	s23 =	simm.s32 $0x1B8E;
	s22 =	sld [smem:$0x3FFE];
	[sflag:s21] =	ssyncadd.s32 $0xFFFFFFFF  }
0xa2: {  	s24 =	simm.s32 $execute0_lowered;
	[smem:$0x3FD2] =	sst s23  }
0xa3: {  	s3 =	sshll.u32 s24, $0x1;
	_ =	strace $0x80000046;
	[dreg:$0x1] =	wrdreg $0xFFFFFFFF  }
0xa4: {  	s25 =	simm.s32 $_size_execute0_lowered;
	s1 =	sadd.s32 s1, s3;
	[dreg:$0x0] =	wrdreg $0x0  }
0xa5: {  	s3 =	sshll.u32 s25, $0x1;
	[dreg:$0x2] =	wrdreg s1  }
0xa6: {  	[dreg:$0x3] =	wrdreg s3  }
0xa7: {  	[dreg:$0x4] =	wrdreg $0xC0  }
0xa8: {  	_ =	task [dreg:s5], $0x5FFFF  }
0xa9: {  	[dreg:$0x1] =	wrdreg $0xFFFFFFFF  }
0xaa: {  	[dreg:$0x0] =	wrdreg $0x60  }
0xab: {  	[dreg:$0x2] =	wrdreg s22  }
0xac: {  	[dreg:$0x3] =	wrdreg s0  }
0xad: {  	[dreg:$0x4] =	wrdreg $0x8F000  }
0xae: {  	[dreg:$0x5] =	wrdreg $0xB6800  }
0xaf: {  	[dreg:$0x6] =	wrdreg $0x9  }
0xb0: {  	_ =	task.clear_ibuf [dreg:s5], $0x7FFFF;
	_ =	strace $0x90000046  }
0xb1: {  	s26 =	simm.s32 $0x9;
	_ =	strace $0x80000048  }
0xb2: {  	_ =	swait.ge [sflag:s26], $0x1  }
0xb3: {  	[sflag:s26] =	ssyncadd.s32 $0xFFFFFFFF  }
0xb4: {  	_ =	strace $0x90000048  }
0xb5: {  	_ =	sfence  }
0xb6: {  	s28 =	sld [smem:$0x0];
	_ =	sdelay $0x1  }
0xb7: {  	s29 =	srdreg.scid  }
0xb8: {  	s30 =	sshll.u32 s29, $0xD;
	s31 =	sshrl.u32 s29, $0x2  }
0xb9: {  	s2 =	sand.u32 $0x4000, s30;
	s1 =	sand.u32 $0x1, s29;
	s0 =	sadd.s32 s31, s28  }
0xba: {  	s1 =	sor.u32 s2, s1;
	s0 =	sshll.u32 s0, $0x11  }
0xbb: {  	s0 =	sor.u32 s0, s1  }
0xbc: {  	s0 =	sadd.s32 $0x8F2B, s0  }
0xbd: {  	[sflag:s0] =	ssyncadd.remote.s32 $0x1  }
0xbe: {  	_ =	sfence.sel $0xFFFF  }
0xbf: {  	[dreg:$0x0] =	wrdreg $0xFFFFFFFF;
	(pc) =	sbr.abs _section_cstart, $3  }
0xc0: {  	[dreg:$0x1] =	wrdreg $0xFFFFFFFF  }
0xc1: {  	_ =	task.clear_ibuf [dreg:s5], $0x2FFFF;
	_ =	strace $0x9FFFFFFF  }
0xc2: {  	(tm) =	ssettm $0x7FFFFFFF  }
0xc3: {  	_ =	shalt  }
tec
execute0_lowered:
.L_overlay_start_1:
0x0: {  	(tag) =	ssettag $0x1  }
0x1: {  	s1 =	rddreg [dreg:$0x0]  }
0x2: {  	s7 =	rddreg [dreg:$0x1]  }
0x3: {  	s3 =	rddreg [dreg:$0x2]  }
0x4: {  	s2 =	rddreg [dreg:$0x3];
	s4 =	simm.s32 $0x0  }
0x5: {  	s5 =	simm.s32 $0x0;
	[smem:$0x7FF] =	sst s4  }
0x6: {  	s6 =	sadd.s32 $0x5200, s1;
	s9 =	sadd.s32 $0x200, s1;
	s20 =	sadd.s32 $0x2C400, s1  }
0x7: {  	v0 =	vimm.f32 $0.0e+00;
	s1 =	stileid.u32;
	s4 =	simm.s32 $0x40;
	_ =	strace $0x80000047  }
.LBB2_1:
0x8: {  	p0 =	sne.s32 s4, $0x1FC0;
	[tilespmem:s5+$0x4F00] =	vst v0;
	s5 =	smov.u32 s4;
	s4 =	sadd.s32 $0x40, s4  }
.Ltmp0:
0x9: {  	(pc) =	sbr.rel @p0 .LBB2_1-.Ltmp0, $2  }
0xa: {  	_ =	sdelay $0x2  }
0xb: {  	s5 =	sshra.s32 s5, $0x2  }
0xc: {  	s21 =	smul.u32 $0x2780, s1;
	_ =	sdelay $0x1  }
0xd: {  	s26 =	smul.u32 $0x9E00, s1;
	s0 =	sadd.s32 s21, s3  }
0xe: {  	[tilespmem:s5+$0x4F00] =	vst v0;
	s10 =	simm.s32 $0x4F00;
	s8 =	simm.s32 $0x9;
	[dreg:$0x5] =	wrdreg s0  }
0xf: {  	[spmem:s0] =	stream.linear.scatter [tilespmem:s10], [sflag:$0x9], $0x800, $0x38;
	[tilespmem:$0xDD90] =	vst v63  }
0x10: {  	s5 =	sshrl.u32 s26, $0x2;
	_ =	swait.ge [sflag:s8], $0x800  }
0x11: {  	s5 =	sadd.s32 s5, s3;
	[sflag:s8] =	ssyncset.done $0x0  }
0x12: {  	s11 =	sadd.s32 $0x800, s5;
	[sflag:s8] =	ssyncadd.s32 $0xFFFFF800  }
0x13: {  	[spmem:s11] =	stream.linear.scatter [tilespmem:s10], [sflag:$0x9], $0x800, $0x38;
	[tilespmem:$0xDD90] =	vst v63  }
0x14: {  	_ =	swait.ge [sflag:s8], $0x800  }
0x15: {  	[sflag:s8] =	ssyncset.done $0x0  }
0x16: {  	s28 =	sadd.s32 $0x1000, s5;
	[sflag:s8] =	ssyncadd.s32 $0xFFFFF800  }
0x17: {  	[spmem:s28] =	stream.linear.scatter [tilespmem:s10], [sflag:$0x9], $0x800, $0x38;
	[tilespmem:$0xDD90] =	vst v63  }
0x18: {  	_ =	swait.ge [sflag:s8], $0x800  }
0x19: {  	[sflag:s8] =	ssyncset.done $0x0  }
0x1a: {  	s29 =	sadd.s32 $0x1800, s5;
	[sflag:s8] =	ssyncadd.s32 $0xFFFFF800  }
0x1b: {  	[spmem:s29] =	stream.linear.scatter [tilespmem:s10], [sflag:$0x9], $0x800, $0x38;
	[tilespmem:$0xDD90] =	vst v63  }
0x1c: {  	s30 =	smul.u32 $0x4E, s1;
	s12 =	smax.u32 s1, $0xE;
	_ =	swait.ge [sflag:s8], $0x800  }
0x1d: {  	p1 =	sne.s32 s1, $0xF;
	s5 =	sadd.s32 $0x2000, s5;
	[sflag:s8] =	ssyncset.done $0x0  }
.Ltmp1:
0x1e: {  	s11 =	sadd.s32 s30, s12;
	[sflag:s8] =	ssyncadd.s32 $0xFFFFF800;
	(pc) =	sbr.rel @p1 .LBB2_5-.Ltmp1, $4  }
0x1f: {  	[spmem:s5] =	stream.linear.scatter [tilespmem:s10], [sflag:$0x9], $0x780, $0x38;
	[tilespmem:$0xDD90] =	vst v63  }
0x20: {  	p0 =	sgt.u32 s1, $0xD;
	s31 =	sshll.u32 s11, $0x4;
	_ =	swait.ge [sflag:s8], $0x780  }
0x21: {  	s5 =	simm.s32 $0x4F;
	s10 =	sadd.s32 $0xFFFFFF20, s31;
	[sflag:s8] =	ssyncset.done $0x0  }
0x22: {  	s9 =	sadd.s32 s9, s10;
	s7 =	sadd.s32 s7, s10;
	[sflag:s8] =	ssyncadd.s32 $0xFFFFF880  }
0x23: {  	s10 =	sadd.s32 $0x25080, s2;
	s6 =	sadd.s32 $0x25080, s6  }
0x24: {  	s11 =	simm.s32 $0x1;
	s12 =	simm.s32 $0x2;
	s13 =	simm.s32 $0x10  }
.Ltmp2:
0x25: {  	s14 =	simm.s32 $0x1FC9;
	s10 =	sshrl.u32 s10, $0x3;
	(pc) =	sbr.rel .LBB2_4-.Ltmp2, $4  }
0x26: {  	[spmem:s10@s12], [sflag:s14] =	dma.strided [hbm:s6@s13], $0x410, s11, $0x2   }
0x27: {  	_ =	swait.ge [sflag:s8], $0x410  }
0x28: {  	[sflag:s8] =	ssyncset.done $0x0  }
0x29: {  	[sflag:s8] =	ssyncadd.s32 $0xFFFFFBF0  }
.LBB2_5:
0x2a: {  	s10 =	sadd.s32 s21, s2;
	s11 =	sshll.u32 s1, $0x6;
	s6 =	sadd.s32 s6, s21  }
0x2b: {  	s12 =	simm.s32 $0x1;
	s13 =	simm.s32 $0x2;
	s14 =	simm.s32 $0x10  }
.Ltmp3:
0x2c: {  	s11 =	sor.u32 $0x1C09, s11;
	s10 =	sshrl.u32 s10, $0x3;
	(pc) =	sbr.rel @p0 .LBB2_4-.Ltmp3, $4  }
0x2d: {  	[spmem:s10@s13], [sflag:s11] =	dma.strided [hbm:s6@s14], $0x4F0, s12, $0x2   }
0x2e: {  	_ =	swait.ge [sflag:s8], $0x4F0  }
0x2f: {  	[sflag:s8] =	ssyncset.done $0x0  }
0x30: {  	[sflag:s8] =	ssyncadd.s32 $0xFFFFFB10  }
0x31: {  	s6 =	simm.s32 $0x0;
	s8 =	simm.s32 $0x9  }
0x32: {  	[tilespmem:s6], [sflag:$0x9] =	stream.linear.gather [hbm4b:s9+s6], $0x2700, $0x38;
	[tilespmem:$0xDD90] =	vst v63  }
0x33: {  	_ =	swait.ge [sflag:s8], $0x2700  }
0x34: {  	[sflag:s8] =	ssyncset.done $0x0  }
.Ltmp4:
0x35: {  	s31 =	simm.s32 $0x2780;
	[sflag:s8] =	ssyncadd.s32 $0xFFFFD900;
	(pc) =	sbr.rel .LBB2_7-.Ltmp4, $4  }
0x36: {  	[tilespmem:s31], [sflag:$0x9] =	stream.linear.gather [hbm4b:s7+s6], $0x2700, $0x38;
	[tilespmem:$0xDD90] =	vst v63  }
0x37: {  	_ =	swait.ge [sflag:s8], $0x2700  }
0x38: {  	[sflag:s8] =	ssyncset.done $0x0  }
0x39: {  	[sflag:s8] =	ssyncadd.s32 $0xFFFFD900  }
.LBB2_4:
0x3a: {  	s6 =	simm.s32 $0x0;
	s8 =	simm.s32 $0x9  }
0x3b: {  	[tilespmem:s6], [sflag:$0x9] =	stream.linear.gather [hbm4b:s9+s6], $0x2780, $0x38;
	[tilespmem:$0xDD90] =	vst v63  }
0x3c: {  	_ =	swait.ge [sflag:s8], $0x2780  }
0x3d: {  	[sflag:s8] =	ssyncset.done $0x0  }
0x3e: {  	s31 =	simm.s32 $0x2780;
	[sflag:s8] =	ssyncadd.s32 $0xFFFFD880  }
0x3f: {  	[tilespmem:s31], [sflag:$0x9] =	stream.linear.gather [hbm4b:s7+s6], $0x2780, $0x38;
	[tilespmem:$0xDD90] =	vst v63  }
0x40: {  	_ =	swait.ge [sflag:s8], $0x2780  }
0x41: {  	[sflag:s8] =	ssyncset.done $0x0  }
0x42: {  	[sflag:s8] =	ssyncadd.s32 $0xFFFFD880  }
.LBB2_7:
0x43: {  	[bflag:$0x0] =	sbarrier.arrive $0xFFFF  }
0x44: {  	s6 =	simm.s32 $0x80;
	s8 =	simm.s32 $0x2780;
	s7 =	simm.s32 $0x4F00  }
0x45: {  	[tilespmem:s7], [sflag:$0x1] =	stream.indirect.gather [spmem:s2], $0x10, s8, s6, $0xb8;
	[tilespmem:$0xDD90] =	vst v63  }
0x46: {  	s9 =	simm.s32 $0x2800;
	s8 =	simm.s32 $0x5700  }
0x47: {  	[tilespmem:s8], [sflag:$0x2] =	stream.indirect.gather [spmem:s2], $0x10, s9, s6, $0xb8;
	[tilespmem:$0xDD90] =	vst v63  }
0x48: {  	s10 =	simm.s32 $0x2880;
	s9 =	simm.s32 $0x5F00  }
0x49: {  	[tilespmem:s9], [sflag:$0x3] =	stream.indirect.gather [spmem:s2], $0x10, s10, s6, $0xb8;
	[tilespmem:$0xDD90] =	vst v63  }
0x4a: {  	s11 =	simm.s32 $0x2900;
	s10 =	simm.s32 $0x6700  }
0x4b: {  	[tilespmem:s10], [sflag:$0x4] =	stream.indirect.gather [spmem:s2], $0x10, s11, s6, $0xb8;
	[tilespmem:$0xDD90] =	vst v63  }
0x4c: {  	s12 =	simm.s32 $0x2980;
	s11 =	simm.s32 $0x6F00  }
0x4d: {  	[tilespmem:s11], [sflag:$0x5] =	stream.indirect.gather [spmem:s2], $0x10, s12, s6, $0xb8;
	[tilespmem:$0xDD90] =	vst v63  }
0x4e: {  	s13 =	simm.s32 $0x2A00;
	s12 =	simm.s32 $0x7700  }
0x4f: {  	[tilespmem:s12], [sflag:$0x6] =	stream.indirect.gather [spmem:s2], $0x10, s13, s6, $0xb8;
	[tilespmem:$0xDD90] =	vst v63  }
0x50: {  	s23 =	simm.s32 $0x2A80;
	s14 =	simm.s32 $0x7F00  }
0x51: {  	[tilespmem:s14], [sflag:$0x7] =	stream.indirect.gather [spmem:s2], $0x10, s23, s6, $0xb8;
	[tilespmem:$0xDD90] =	vst v63  }
0x52: {  	s24 =	simm.s32 $0x2B00;
	s25 =	simm.s32 $0x8700;
	s13 =	simm.s32 $0x1  }
0x53: {  	[tilespmem:s25], [sflag:$0x8] =	stream.indirect.gather [spmem:s2], $0x10, s24, s6, $0xb8;
	[tilespmem:$0xDD90] =	vst v63  }
0x54: {  	_ =	swait.ge [sflag:s13], $0x800  }
0x55: {  	s5 =	simm.s32 @!p0 $0x4E;
	[sflag:s13] =	ssyncset.done $0x0  }
0x56: {  	s15 =	simm.s32 $0x0;
	s14 =	simm.s32 $0x9;
	[sflag:s13] =	ssyncadd.s32 $0xFFFFF800  }
0x57: {  	[spmem:s3] =	stream.indirect.scatter.add.f32 [tilespmem:s7], [sflag:$0x9], $0x10, s15, s6, $0xb8;
	[tilespmem:$0xDD90] =	vst v63  }
0x58: {  	p0 =	sle.u32 s5, $0x8;
	_ =	swait.ge [sflag:s14], $0x800  }
0x59: {  	s16 =	simm.s32 @!p0 $0x2B80;
	s17 =	simm.s32 @!p0 $0x80;
	[sflag:s14] =	ssyncset.done $0x0  }
0x5a: {  	s18 =	simm.s32 @!p0 $0x4F00;
	s15 =	simm.s32 $0x2;
	[sflag:s14] =	ssyncadd.s32 $0xFFFFF800  }
0x5b: {  	[tilespmem:s18], [sflag:$0x1] =	stream.indirect.gather @!p0 [spmem:s2], $0x10, s16, s17, $0xb8;
	[tilespmem:$0xDD90] =	vst v63  }
0x5c: {  	_ =	swait.ge [sflag:s15], $0x800  }
0x5d: {  	[sflag:s15] =	ssyncset.done $0x0  }
0x5e: {  	s26 =	simm.s32 $0x80;
	[sflag:s15] =	ssyncadd.s32 $0xFFFFF800  }
0x5f: {  	[spmem:s3] =	stream.indirect.scatter.add.f32 [tilespmem:s8], [sflag:$0x9], $0x10, s26, s6, $0xb8;
	[tilespmem:$0xDD90] =	vst v63  }
0x60: {  	p0 =	sle.u32 s5, $0x9;
	_ =	swait.ge [sflag:s14], $0x800  }
0x61: {  	s16 =	simm.s32 $0x3;
	s17 =	simm.s32 @!p0 $0x2C00;
	[sflag:s14] =	ssyncset.done $0x0  }
0x62: {  	s18 =	simm.s32 @!p0 $0x80;
	s19 =	simm.s32 @!p0 $0x5700;
	[sflag:s14] =	ssyncadd.s32 $0xFFFFF800  }
0x63: {  	[tilespmem:s19], [sflag:$0x2] =	stream.indirect.gather @!p0 [spmem:s2], $0x10, s17, s18, $0xb8;
	[tilespmem:$0xDD90] =	vst v63  }
0x64: {  	_ =	swait.ge [sflag:s16], $0x800  }
0x65: {  	[sflag:s16] =	ssyncset.done $0x0  }
0x66: {  	s28 =	simm.s32 $0x100;
	[sflag:s16] =	ssyncadd.s32 $0xFFFFF800  }
0x67: {  	[spmem:s3] =	stream.indirect.scatter.add.f32 [tilespmem:s9], [sflag:$0x9], $0x10, s28, s6, $0xb8;
	[tilespmem:$0xDD90] =	vst v63  }
0x68: {  	p0 =	sle.u32 s5, $0xA;
	_ =	swait.ge [sflag:s14], $0x800  }
0x69: {  	s17 =	simm.s32 $0x4;
	s18 =	simm.s32 @!p0 $0x2C80;
	[sflag:s14] =	ssyncset.done $0x0  }
0x6a: {  	s19 =	simm.s32 @!p0 $0x80;
	s22 =	simm.s32 @!p0 $0x5F00;
	[sflag:s14] =	ssyncadd.s32 $0xFFFFF800  }
0x6b: {  	[tilespmem:s22], [sflag:$0x3] =	stream.indirect.gather @!p0 [spmem:s2], $0x10, s18, s19, $0xb8;
	[tilespmem:$0xDD90] =	vst v63  }
0x6c: {  	_ =	swait.ge [sflag:s17], $0x800  }
0x6d: {  	[sflag:s17] =	ssyncset.done $0x0  }
0x6e: {  	s29 =	simm.s32 $0x180;
	[sflag:s17] =	ssyncadd.s32 $0xFFFFF800  }
0x6f: {  	[spmem:s3] =	stream.indirect.scatter.add.f32 [tilespmem:s10], [sflag:$0x9], $0x10, s29, s6, $0xb8;
	[tilespmem:$0xDD90] =	vst v63  }
0x70: {  	p0 =	sle.u32 s5, $0xB;
	_ =	swait.ge [sflag:s14], $0x800  }
0x71: {  	s18 =	simm.s32 $0x5;
	s19 =	simm.s32 @!p0 $0x2D00;
	[sflag:s14] =	ssyncset.done $0x0  }
0x72: {  	s22 =	simm.s32 @!p0 $0x80;
	s23 =	simm.s32 @!p0 $0x6700;
	[sflag:s14] =	ssyncadd.s32 $0xFFFFF800  }
0x73: {  	[tilespmem:s23], [sflag:$0x4] =	stream.indirect.gather @!p0 [spmem:s2], $0x10, s19, s22, $0xb8;
	[tilespmem:$0xDD90] =	vst v63  }
0x74: {  	_ =	swait.ge [sflag:s18], $0x800  }
0x75: {  	[sflag:s18] =	ssyncset.done $0x0  }
0x76: {  	s30 =	simm.s32 $0x200;
	[sflag:s18] =	ssyncadd.s32 $0xFFFFF800  }
0x77: {  	[spmem:s3] =	stream.indirect.scatter.add.f32 [tilespmem:s11], [sflag:$0x9], $0x10, s30, s6, $0xb8;
	[tilespmem:$0xDD90] =	vst v63  }
0x78: {  	p0 =	sle.u32 s5, $0xC;
	_ =	swait.ge [sflag:s14], $0x800  }
0x79: {  	s19 =	simm.s32 $0x6;
	s22 =	simm.s32 @!p0 $0x2D80;
	[sflag:s14] =	ssyncset.done $0x0  }
0x7a: {  	s23 =	simm.s32 @!p0 $0x80;
	s24 =	simm.s32 @!p0 $0x6F00;
	[sflag:s14] =	ssyncadd.s32 $0xFFFFF800  }
0x7b: {  	[tilespmem:s24], [sflag:$0x5] =	stream.indirect.gather @!p0 [spmem:s2], $0x10, s22, s23, $0xb8;
	[tilespmem:$0xDD90] =	vst v63  }
0x7c: {  	_ =	swait.ge [sflag:s19], $0x800  }
0x7d: {  	s31 =	simm.s32 $0x280;
	[sflag:s19] =	ssyncset.done $0x0  }
0x7e: {  	s21 =	sadd.s32 s20, s21;
	p1 =	sle.u32 s5, $0xD;
	[sflag:s19] =	ssyncadd.s32 $0xFFFFF800  }
0x7f: {  	[spmem:s3] =	stream.indirect.scatter.add.f32 [tilespmem:s12], [sflag:$0x9], $0x10, s31, s6, $0xb8;
	[tilespmem:$0xDD90] =	vst v63  }
0x80: {  	s20 =	sadd.s32 $0x25080, s20;
	s22 =	simm.s32 @!p1 $0x2E00;
	_ =	swait.ge [sflag:s14], $0x800  }
0x81: {  	s23 =	simm.s32 @!p1 $0x7700;
	p0 =	sle.u32 s5, $0x6;
	[sflag:s14] =	ssyncset.done $0x0  }
0x82: {  	s24 =	simm.s32 @!p1 $0x80;
	s25 =	simm.s32 @!p0 $0x7;
	[sflag:s14] =	ssyncadd.s32 $0xFFFFF800  }
0x83: {  	[tilespmem:s23], [sflag:$0x6] =	stream.indirect.gather @!p1 [spmem:s2], $0x10, s22, s24, $0xb8;
	[tilespmem:$0xDD90] =	vst v63  }
0x84: {  	s26 =	simm.s32 @!p0 $0x7F00;
	s22 =	simm.s32 @!p0 $0x300;
	_ =	swait.ge @!p0 [sflag:s25], $0x800  }
0x85: {  	p1 =	sle.u32 @!p0 s5, $0xE;
	s23 =	simm.s32 @!p0 $0x9;
	[sflag:s25] =	ssyncset.done @!p0 $0x0  }
0x86: {  	s24 =	simm.s32 @!p0 $0x80;
	p2 =	por p1, p0;
	[sflag:s25] =	ssyncadd.s32 @!p0 $0xFFFFF800  }
0x87: {  	[spmem:s3] =	stream.indirect.scatter.add.f32 @!p0 [tilespmem:s26], [sflag:$0x9], $0x10, s22, s24, $0xb8;
	[tilespmem:$0xDD90] =	vst v63  }
0x88: {  	p1 =	sle.u32 s5, $0x7;
	s25 =	simm.s32 @!p2 $0x80;
	_ =	swait.ge @!p0 [sflag:s23], $0x800  }
0x89: {  	s22 =	simm.s32 @!p2 $0x7F00;
	s24 =	simm.s32 @!p2 $0x2E80;
	[sflag:s23] =	ssyncset.done @!p0 $0x0  }
0x8a: {  	s26 =	simm.s32 @!p1 $0x8700;
	[sflag:s23] =	ssyncadd.s32 @!p0 $0xFFFFF800;
	s23 =	simm.s32 @!p1 $0x8  }
0x8b: {  	[tilespmem:s22], [sflag:$0x7] =	stream.indirect.gather @!p2 [spmem:s2], $0x10, s24, s25, $0xb8;
	[tilespmem:$0xDD90] =	vst v63  }
0x8c: {  	p0 =	sle.u32 @!p1 s5, $0xF;
	s22 =	sadd.s32 $0x25080, s3;
	_ =	swait.ge @!p1 [sflag:s23], $0x800  }
0x8d: {  	s24 =	simm.s32 @!p1 $0x380;
	s25 =	simm.s32 @!p1 $0x80;
	[sflag:s23] =	ssyncset.done @!p1 $0x0  }
0x8e: {  	p2 =	por p0, p1;
	[sflag:s23] =	ssyncadd.s32 @!p1 $0xFFFFF800;
	s23 =	simm.s32 $0x1000  }
0x8f: {  	[spmem:s3] =	stream.indirect.scatter.add.f32 @!p1 [tilespmem:s26], [sflag:$0x9], $0x10, s24, s25, $0xb8;
	[tilespmem:$0xDD90] =	vst v63  }
0x90: {  	s25 =	simm.s32 $0x0;
	s24 =	simm.s32 $0x17;
	s26 =	simm.s32 @!p1 $0x9  }
.LBB2_8:
0x91: {  	_ =	swait.ge @!p1 [sflag:s26], $0x800;
	s25 =	sshra.s32 @!p2 s25, $0x2;
	s28 =	simm.s32 @!p2 $0x8700  }
0x92: {  	s30 =	simm.s32 @!p2 $0x80;
	[sflag:s26] =	ssyncset.done @!p1 $0x0;
	s29 =	sadd.s32 @!p2 $0x2F00, s25  }
0x93: {  	s25 =	smov.u32 s23;
	s23 =	sadd.s32 $0x1000, s23;
	[sflag:s26] =	ssyncadd.s32 @!p1 $0xFFFFF800  }
0x94: {  	[tilespmem:s28], [sflag:$0x8] =	stream.indirect.gather @!p2 [spmem:s2], $0x10, s29, s30, $0xb8;
	[tilespmem:$0xDD90] =	vst v63  }
0x95: {  	s26 =	sadd.s32 $0xFFFFFFF9, s24;
	s28 =	sshra.s32 s25, $0x2;
	_ =	swait.ge [sflag:s13], $0x800  }
0x96: {  	p0 =	sne.s32 s23, $0xA000;
	p1 =	sge.u32 s26, s5;
	[sflag:s13] =	ssyncset.done $0x0  }
0x97: {  	s26 =	smov.u32 s24;
	s29 =	sshra.s32 @!p1 s25, $0x2;
	[sflag:s13] =	ssyncadd.s32 $0xFFFFF800  }
0x98: {  	[spmem:s3] =	stream.indirect.scatter.add.f32 [tilespmem:s7], [sflag:$0x9], $0x10, s28, s6, $0xb8;
	[tilespmem:$0xDD90] =	vst v63  }
0x99: {  	s30 =	simm.s32 @!p1 $0x80;
	s29 =	sadd.s32 @!p1 $0x2B80, s29;
	_ =	swait.ge [sflag:s14], $0x800  }
0x9a: {  	[sflag:s14] =	ssyncset.done $0x0  }
0x9b: {  	s31 =	simm.s32 @!p1 $0x4F00;
	[sflag:s14] =	ssyncadd.s32 $0xFFFFF800  }
0x9c: {  	[tilespmem:s31], [sflag:$0x1] =	stream.indirect.gather @!p1 [spmem:s2], $0x10, s29, s30, $0xb8;
	[tilespmem:$0xDD90] =	vst v63  }
0x9d: {  	s29 =	sadd.s32 $0x80, s28;
	s30 =	sadd.s32 $0xFFFFFFFA, s24;
	_ =	swait.ge [sflag:s15], $0x800  }
0x9e: {  	p1 =	sge.u32 s30, s5;
	[sflag:s15] =	ssyncset.done $0x0  }
0x9f: {  	s30 =	sshra.s32 @!p1 s25, $0x2;
	[sflag:s15] =	ssyncadd.s32 $0xFFFFF800  }
0xa0: {  	[spmem:s3] =	stream.indirect.scatter.add.f32 [tilespmem:s8], [sflag:$0x9], $0x10, s29, s6, $0xb8;
	[tilespmem:$0xDD90] =	vst v63  }
0xa1: {  	s29 =	sadd.s32 @!p1 $0x2C00, s30;
	s30 =	simm.s32 @!p1 $0x80;
	_ =	swait.ge [sflag:s14], $0x800  }
0xa2: {  	[sflag:s14] =	ssyncset.done $0x0  }
0xa3: {  	s31 =	simm.s32 @!p1 $0x5700;
	[sflag:s14] =	ssyncadd.s32 $0xFFFFF800  }
0xa4: {  	[tilespmem:s31], [sflag:$0x2] =	stream.indirect.gather @!p1 [spmem:s2], $0x10, s29, s30, $0xb8;
	[tilespmem:$0xDD90] =	vst v63  }
0xa5: {  	s29 =	sadd.s32 $0x100, s28;
	s30 =	sadd.s32 $0xFFFFFFFB, s24;
	_ =	swait.ge [sflag:s16], $0x800  }
0xa6: {  	p1 =	sge.u32 s30, s5;
	[sflag:s16] =	ssyncset.done $0x0  }
0xa7: {  	s30 =	sshra.s32 @!p1 s25, $0x2;
	[sflag:s16] =	ssyncadd.s32 $0xFFFFF800  }
0xa8: {  	[spmem:s3] =	stream.indirect.scatter.add.f32 [tilespmem:s9], [sflag:$0x9], $0x10, s29, s6, $0xb8;
	[tilespmem:$0xDD90] =	vst v63  }
0xa9: {  	s29 =	sadd.s32 @!p1 $0x2C80, s30;
	s30 =	simm.s32 @!p1 $0x80;
	_ =	swait.ge [sflag:s14], $0x800  }
0xaa: {  	[sflag:s14] =	ssyncset.done $0x0  }
0xab: {  	s31 =	simm.s32 @!p1 $0x5F00;
	[sflag:s14] =	ssyncadd.s32 $0xFFFFF800  }
0xac: {  	[tilespmem:s31], [sflag:$0x3] =	stream.indirect.gather @!p1 [spmem:s2], $0x10, s29, s30, $0xb8;
	[tilespmem:$0xDD90] =	vst v63  }
0xad: {  	s29 =	sadd.s32 $0x180, s28;
	s30 =	sadd.s32 $0xFFFFFFFC, s24;
	_ =	swait.ge [sflag:s17], $0x800  }
0xae: {  	p1 =	sge.u32 s30, s5;
	[sflag:s17] =	ssyncset.done $0x0  }
0xaf: {  	s30 =	sshra.s32 @!p1 s25, $0x2;
	[sflag:s17] =	ssyncadd.s32 $0xFFFFF800  }
0xb0: {  	[spmem:s3] =	stream.indirect.scatter.add.f32 [tilespmem:s10], [sflag:$0x9], $0x10, s29, s6, $0xb8;
	[tilespmem:$0xDD90] =	vst v63  }
0xb1: {  	s29 =	sadd.s32 @!p1 $0x2D00, s30;
	s30 =	simm.s32 @!p1 $0x80;
	_ =	swait.ge [sflag:s14], $0x800  }
0xb2: {  	[sflag:s14] =	ssyncset.done $0x0  }
0xb3: {  	s31 =	simm.s32 @!p1 $0x6700;
	[sflag:s14] =	ssyncadd.s32 $0xFFFFF800  }
0xb4: {  	[tilespmem:s31], [sflag:$0x4] =	stream.indirect.gather @!p1 [spmem:s2], $0x10, s29, s30, $0xb8;
	[tilespmem:$0xDD90] =	vst v63  }
0xb5: {  	s29 =	sadd.s32 $0x200, s28;
	s30 =	sadd.s32 $0xFFFFFFFD, s24;
	_ =	swait.ge [sflag:s18], $0x800  }
0xb6: {  	p1 =	sge.u32 s30, s5;
	[sflag:s18] =	ssyncset.done $0x0  }
0xb7: {  	s30 =	sshra.s32 @!p1 s25, $0x2;
	[sflag:s18] =	ssyncadd.s32 $0xFFFFF800  }
0xb8: {  	[spmem:s3] =	stream.indirect.scatter.add.f32 [tilespmem:s11], [sflag:$0x9], $0x10, s29, s6, $0xb8;
	[tilespmem:$0xDD90] =	vst v63  }
0xb9: {  	s29 =	sadd.s32 @!p1 $0x2D80, s30;
	s30 =	simm.s32 @!p1 $0x80;
	_ =	swait.ge [sflag:s14], $0x800  }
0xba: {  	[sflag:s14] =	ssyncset.done $0x0  }
0xbb: {  	s31 =	simm.s32 @!p1 $0x6F00;
	[sflag:s14] =	ssyncadd.s32 $0xFFFFF800  }
0xbc: {  	[tilespmem:s31], [sflag:$0x5] =	stream.indirect.gather @!p1 [spmem:s2], $0x10, s29, s30, $0xb8;
	[tilespmem:$0xDD90] =	vst v63  }
0xbd: {  	s28 =	sadd.s32 $0x280, s28;
	s29 =	sadd.s32 $0xFFFFFFFE, s24;
	_ =	swait.ge [sflag:s19], $0x800  }
0xbe: {  	p1 =	sge.u32 s29, s5;
	s29 =	sadd.s32 $0xFFFFFFF7, s24;
	[sflag:s19] =	ssyncset.done $0x0  }
0xbf: {  	s24 =	sadd.s32 $0x8, s24;
	s30 =	sshra.s32 @!p1 s25, $0x2;
	[sflag:s19] =	ssyncadd.s32 $0xFFFFF800  }
0xc0: {  	[spmem:s3] =	stream.indirect.scatter.add.f32 [tilespmem:s12], [sflag:$0x9], $0x10, s28, s6, $0xb8;
	[tilespmem:$0xDD90] =	vst v63  }
0xc1: {  	s28 =	sadd.s32 @!p1 $0x2E00, s30;
	s30 =	simm.s32 @!p1 $0x7700;
	_ =	swait.ge [sflag:s14], $0x800  }
0xc2: {  	s31 =	simm.s32 @!p1 $0x80;
	p2 =	sge.u32 s29, s5;
	[sflag:s14] =	ssyncset.done $0x0  }
0xc3: {  	s29 =	simm.s32 @!p2 $0x7;
	s0 =	sshra.s32 @!p2 s25, $0x2;
	s4 =	sadd.s32 @!p2 $0xFFFFFFFF, s26  }
0xc4: {  	s0 =	sadd.s32 @!p2 $0x300, s0;
	p3 =	sge.u32 @!p2 s4, s5;
	[sflag:s14] =	ssyncadd.s32 $0xFFFFF800  }
0xc5: {  	[tilespmem:s30], [sflag:$0x6] =	stream.indirect.gather @!p1 [spmem:s2], $0x10, s28, s31, $0xb8;
	[tilespmem:$0xDD90] =	vst v63  }
0xc6: {  	s4 =	simm.s32 @!p2 $0x9;
	p3 =	por p3, p2;
	_ =	swait.ge @!p2 [sflag:s29], $0x800  }
0xc7: {  	s28 =	simm.s32 @!p2 $0x80;
	s30 =	simm.s32 @!p2 $0x7F00;
	[sflag:s29] =	ssyncset.done @!p2 $0x0  }
0xc8: {  	s31 =	simm.s32 @!p3 $0x7F00;
	[sflag:s29] =	ssyncadd.s32 @!p2 $0xFFFFF800;
	s29 =	sshra.s32 @!p3 s25, $0x2  }
0xc9: {  	[spmem:s3] =	stream.indirect.scatter.add.f32 @!p2 [tilespmem:s30], [sflag:$0x9], $0x10, s0, s28, $0xb8;
	[tilespmem:$0xDD90] =	vst v63  }
0xca: {  	s0 =	sadd.s32 @!p3 $0x2E80, s29;
	s28 =	sadd.s32 $0xFFFFFFF8, s26;
	_ =	swait.ge @!p2 [sflag:s4], $0x800  }
0xcb: {  	s29 =	simm.s32 @!p3 $0x80;
	p1 =	sge.u32 s28, s5;
	[sflag:s4] =	ssyncset.done @!p2 $0x0  }
0xcc: {  	s28 =	sshra.s32 @!p1 s25, $0x2;
	[sflag:s4] =	ssyncadd.s32 @!p2 $0xFFFFF800;
	s4 =	simm.s32 @!p1 $0x8  }
0xcd: {  	[tilespmem:s31], [sflag:$0x7] =	stream.indirect.gather @!p3 [spmem:s2], $0x10, s0, s29, $0xb8;
	[tilespmem:$0xDD90] =	vst v63  }
.Ltmp5:
0xce: {  	_ = 	snop;
	(pc) =	sbr.rel @p0 .LBB2_8-.Ltmp5, $4  }
0xcf: {  	p2 =	sge.u32 @!p1 s26, s5;
	s0 =	sadd.s32 @!p1 $0x380, s28;
	_ =	swait.ge @!p1 [sflag:s4], $0x800  }
0xd0: {  	s28 =	simm.s32 @!p1 $0x80;
	s29 =	simm.s32 @!p1 $0x8700;
	[sflag:s4] =	ssyncset.done @!p1 $0x0  }
0xd1: {  	s26 =	simm.s32 @!p1 $0x9;
	p2 =	por p2, p1;
	[sflag:s4] =	ssyncadd.s32 @!p1 $0xFFFFF800  }
0xd2: {  	[spmem:s3] =	stream.indirect.scatter.add.f32 @!p1 [tilespmem:s29], [sflag:$0x9], $0x10, s0, s28, $0xb8;
	[tilespmem:$0xDD90] =	vst v63  }
0xd3: {  	_ =	swait.ge @!p1 [sflag:s26], $0x800;
	s0 =	sshra.s32 @!p2 s25, $0x2  }
0xd4: {  	s3 =	simm.s32 @!p2 $0x8700;
	s4 =	simm.s32 @!p2 $0x80;
	[sflag:s26] =	ssyncset.done @!p1 $0x0  }
0xd5: {  	p0 =	seq.s32 s1, $0xF;
	s0 =	sadd.s32 @!p2 $0x2F00, s0;
	[sflag:s26] =	ssyncadd.s32 @!p1 $0xFFFFF800  }
0xd6: {  	[tilespmem:s3], [sflag:$0x8] =	stream.indirect.gather @!p2 [spmem:s2], $0x10, s0, s4, $0xb8;
	[tilespmem:$0xDD90] =	vst v63  }
0xd7: {  	s5 =	simm.s32 @p0 $0x1FC9;
	s0 =	sshrl.u32 @p0 s22, $0x3;
	s2 =	simm.s32 @p0 $0x1  }
0xd8: {  	s3 =	simm.s32 @p0 $0x10;
	s4 =	simm.s32 @p0 $0x2;
	[bflag:$0x0] =	sbarrier.arrive $0xFFFF  }
0xd9: {  	[hbm:s20@s3], [sflag:s5] =	dma.strided @p0 [spmem:s0@s4], $0x410, s2, $0x2   }
0xda: {  	s0 =	simm.s32 @p0 $0x9  }
0xdb: {  	_ =	swait.ge @p0 [sflag:s0], $0x410  }
0xdc: {  	s2 =	sshll.u32 @!p0 s1, $0x6;
	s3 =	simm.s32 @!p0 $0x1;
	[sflag:s0] =	ssyncset.done @p0 $0x0  }
0xdd: {  	[sflag:s0] =	ssyncadd.s32 @p0 $0xFFFFFBF0;
	s0 =	sor.u32 @!p0 $0x1C09, s2;
	s2 =	rddreg [dreg:$0x5]  }
0xde: {  	s4 =	simm.s32 @!p0 $0x10;
	s5 =	simm.s32 @!p0 $0x2;
	s2 =	sshrl.u32 @!p0 s2, $0x3  }
0xdf: {  	[hbm:s21@s4], [sflag:s0] =	dma.strided @!p0 [spmem:s2@s5], $0x4F0, s3, $0x2   }
0xe0: {  	s0 =	simm.s32 @!p0 $0x9  }
0xe1: {  	_ =	swait.ge @!p0 [sflag:s0], $0x4F0  }
0xe2: {  	[sflag:s0] =	ssyncset.done @!p0 $0x0  }
0xe3: {  	[sflag:s0] =	ssyncadd.s32 @!p0 $0xFFFFFB10  }
0xe4: {  	_ =	sfence.sel $0x180000  }
0xe5: {  	[bflag:$0x0] =	sbarrier.arrive $0xFFFF  }
0xe6: {  	_ =	strace $0x90000047  }
0xe7: {  	[bflag:$0x2] =	sbarrier.arrive $0xFFFF  }
0xe8: {  	p0 =	sne.s32 s1, $0x0;
	s0 =	rddreg [dreg:$0x4]  }
0xe9: {  	s0 =	sadd.s32 @!p0 $0x100000, s0  }
0xea: {  	[sflag:s0] =	ssyncadd.tile.s32 @!p0 $0x1;
	_ =	shalt  }
.Lfunc_end2:
_tile_overlayer_lowered:
.L_overlay_start_2:
0xeb: {  	(tag) =	ssettag $0x2  }
0xec: {  	s0 =	rddreg [dreg:$0x0];
	s2 =	stileid.u32  }
0xed: {  	s1 =	rddreg [dreg:$0x1];
	p0 =	sne.s32 s2, $0x0  }
0xee: {  	s3 =	rddreg [dreg:$0x2];
	[bflag:$0x3] =	sbarrier.arrive $0xFFFF;
	s2 =	simm.s32 @!p0 $0x1C09  }
0xef: {  	[timem:s3], [sflag:s2] =	dma.local @!p0 [hbm:s0], s1  }
0xf0: {  	s0 =	simm.s32 @!p0 $0x9  }
0xf1: {  	_ =	swait.ge @!p0 [sflag:s0], s1  }
0xf2: {  	s1 =	ssub.s32 @!p0 $0x0, s1;
	[sflag:s0] =	ssyncset.done @!p0 $0x0  }
0xf3: {  	[sflag:s0] =	ssyncadd.s32 @!p0 s1  }
0xf4: {  	[bflag:$0x3] =	sbarrier.arrive $0xFFFF  }
0xf5: {  	_ =	shalt  }

</sc_bundles>
